<compile_context>
chip_gen: v7x
topology: tpu7x:2x2x1
jax: 0.10.2.dev20260603
libtpu: 0.0.44.dev20260713+nightly
codegen_flags: <defaults>
</compile_context>

<pallas_src>
import functools

import jax
import jax.numpy as jnp
from jax import lax
from jax.experimental import pallas as pl
from jax.experimental.pallas import tpu as pltpu
from jax.experimental.pallas import tpu_sc as plsc

_BS = 2048

_NC = 2
_NS = 16
_NW = _NC * _NS
_R = 32


def _tc_add_kernel(seq_ref, pe_ref, out_ref):
    out_ref[...] = seq_ref[...] + pe_ref[...]


def _tc_part(seq, pe):
    b, s, d = seq.shape
    ns = s // _BS
    return pl.pallas_call(
        _tc_add_kernel,
        grid=(ns, b),
        in_specs=[
            pl.BlockSpec((1, _BS, d), lambda i, j: (j, i, 0)),
            pl.BlockSpec((_BS, d), lambda i, j: (i, 0)),
        ],
        out_specs=pl.BlockSpec((1, _BS, d), lambda i, j: (j, i, 0)),
        out_shape=jax.ShapeDtypeStruct((b, s, d), seq.dtype),
    )(seq, pe)


def _sc_body(seq, pe, out, buf, pbuf, *, seq_len, d):
    w = lax.axis_index("c") * _NS + lax.axis_index("s")
    s_per_w = seq_len // _NW
    s0 = w * s_per_w
    nvec = d // 16

    def chunk(i, carry):
        base = s0 + i * _R
        pltpu.sync_copy(pe.at[pl.ds(base, _R)], pbuf)
        pltpu.sync_copy(seq.at[pl.ds(base, _R)], buf)

        def add_row(r, c2):
            for c in range(nvec):
                sl = pl.ds(c * 16, 16)
                buf[r, sl] = buf[r, sl] + pbuf[r, sl]
            return c2

        lax.fori_loop(0, _R, add_row, 0)
        pltpu.sync_copy(buf, out.at[pl.ds(base, _R)])
        return carry

    lax.fori_loop(0, s_per_w // _R, chunk, 0)


def _sc_part(seq2d, pe):
    s, d = seq2d.shape
    mesh = plsc.VectorSubcoreMesh(
        core_axis_name="c", subcore_axis_name="s",
        num_cores=_NC, num_subcores=_NS,
    )
    body = functools.partial(_sc_body, seq_len=s, d=d)
    return pl.kernel(
        body,
        out_type=jax.ShapeDtypeStruct((s, d), seq2d.dtype),
        mesh=mesh,
        scratch_types=[
            pltpu.VMEM((_R, d), seq2d.dtype),
            pltpu.VMEM((_R, d), seq2d.dtype),
        ],
    )(seq2d, pe)


def kernel(sequence, pe):
    b, s, d = sequence.shape
    out_tc = _tc_part(sequence[: b - 1], pe)
    out_sc = _sc_part(sequence[b - 1], pe)
    return jnp.concatenate([out_tc, out_sc[None]], axis=0)

# --- scband reference (transcript-rebuilt; emitter-appended) ---
"""Pipeline reference for scband-bertembedding4-28544352649613 (READ-ONLY COPY).

The authoritative reference and input builder live on the scoring server;
editing this copy changes nothing except your own understanding.
"""

import jax, jax.numpy as jnp
import numpy as np


def setup_inputs(seed: int = 0) -> dict:
    key = jax.random.key(seed)
    k1, k2 = jax.random.split(key)
    sequence = jax.random.normal(k1, (4, 4096, 1024), dtype=jnp.float32)
    # learned positional embedding table, sized per init_kwargs (max_len=4096, d_model=1024)
    pe = jax.random.normal(k2, (4096, 1024), dtype=jnp.float32) * 0.02
    return {"sequence": sequence, "pe": pe}


def reference(sequence, pe):
    # LearnedPositionalEmbedding3: gather rows [0:seq_len] from the learned table
    seq_len = sequence.shape[1]
    positions = jnp.arange(seq_len)
    pos_emb = jnp.take(pe, positions, axis=0)  # [seq_len, d_model]
    # BERTEmbedding4.forward: learnedPosition(sequence) + sequence, then dropout (identity in eval)
    x = pos_emb[None, :, :] + sequence
    return x

if __name__ == "__main__":
    import jax
    _d = setup_inputs()
    print(jax.jit(kernel)(*tuple(_d.values())))

</pallas_src>

<mosaic_0001>
#map = affine_map<(d0, d1) -> (0, 0)>
module attributes {stable_mosaic.version = 14 : i64} {
  func.func @_sc_body(%arg0: i32, %arg1: i32, %arg2: memref<4096x1024xf32, #tpu.memory_space<hbm>>, %arg3: memref<4096x1024xf32, #tpu.memory_space<hbm>>, %arg4: memref<4096x1024xf32, #tpu.memory_space<hbm>>, %arg5: memref<32x1024xf32, #tpu.memory_space<vmem>>, %arg6: memref<32x1024xf32, #tpu.memory_space<vmem>>) attributes {dimension_semantics = [#tpu.dimension_semantics<core_parallel>, #tpu.dimension_semantics<subcore_parallel>], iteration_bounds = array<i64: 2, 16>, scalar_prefetch = 0 : i64, scratch_operands = 2 : i64, tpu.core_type = #tpu.core_type<sc_vector_subcore>, window_params = [{transform_indices = #map}, {transform_indices = #map}, {transform_indices = #map}]} {
    %mul3A = arith.constant 16 : i32
    %mul3A_0 = arith.muli %arg0, %mul3A : i32
    %add3A = arith.addi %mul3A_0, %arg1 : i32
    %mul3A_1 = arith.constant 128 : i32
    %mul3A_2 = arith.muli %add3A, %mul3A_1 : i32
    %scan3A = arith.constant 0 : i32
    %scan3A_3 = arith.constant 0 : i32
    %scan3A_4 = arith.constant 4 : i32
    %scan3A_5 = arith.addi %scan3A_3, %scan3A_4 : i32
    %scan3A_6 = arith.constant 1 : i32
    scf.for %scan3A_8 = %scan3A_3 to %scan3A_5 step %scan3A_6  : i32 {
      %mul3A_9 = arith.constant 32 : i32
      %mul3A_10 = arith.muli %scan3A_8, %mul3A_9 : i32
      %add3A_11 = arith.addi %mul3A_2, %mul3A_10 : i32
      "tpu.region"() ({
        %run_scoped3A = tpu.sem_alloc : memref<!tpu.dma_semaphore, #tpu.memory_space<semaphore_mem>>
        %dma_start3A = arith.constant 0 : i32
        %dma_start3A_18 = tpu.memref_slice %arg3[%add3A_11, %dma_start3A] : memref<4096x1024xf32, #tpu.memory_space<hbm>> -> memref<32x1024xf32, #tpu.memory_space<hbm>>
        %dma_start3A_19 = arith.constant 0 : i32
        %dma_start3A_20 = tpu.memref_slice %arg3[%add3A_11, %dma_start3A_19] : memref<4096x1024xf32, #tpu.memory_space<hbm>> -> memref<32x1024xf32, #tpu.memory_space<hbm>>
        tpu.enqueue_dma source(%dma_start3A_20 : memref<32x1024xf32, #tpu.memory_space<hbm>>) target(%arg6 : memref<32x1024xf32, #tpu.memory_space<vmem>>) target_semaphore(%run_scoped3A : memref<!tpu.dma_semaphore, #tpu.memory_space<semaphore_mem>>)
        %dma_wait3A = arith.constant 0 : i32
        %dma_wait3A_21 = tpu.memref_slice %arg3[%add3A_11, %dma_wait3A] : memref<4096x1024xf32, #tpu.memory_space<hbm>> -> memref<32x1024xf32, #tpu.memory_space<hbm>>
        %dma_wait3A_22 = arith.constant 0 : i32
        %dma_wait3A_23 = tpu.memref_slice %arg3[%add3A_11, %dma_wait3A_22] : memref<4096x1024xf32, #tpu.memory_space<hbm>> -> memref<32x1024xf32, #tpu.memory_space<hbm>>
        tpu.wait_dma2 semaphore(%run_scoped3A : memref<!tpu.dma_semaphore, #tpu.memory_space<semaphore_mem>>) src(%dma_wait3A_23 : memref<32x1024xf32, #tpu.memory_space<hbm>>) dst(%arg6 : memref<32x1024xf32, #tpu.memory_space<vmem>>)
        tpu.yield
      }) : () -> ()
      "tpu.region"() ({
        %run_scoped3A = tpu.sem_alloc : memref<!tpu.dma_semaphore, #tpu.memory_space<semaphore_mem>>
        %dma_start3A = arith.constant 0 : i32
        %dma_start3A_18 = tpu.memref_slice %arg2[%add3A_11, %dma_start3A] : memref<4096x1024xf32, #tpu.memory_space<hbm>> -> memref<32x1024xf32, #tpu.memory_space<hbm>>
        %dma_start3A_19 = arith.constant 0 : i32
        %dma_start3A_20 = tpu.memref_slice %arg2[%add3A_11, %dma_start3A_19] : memref<4096x1024xf32, #tpu.memory_space<hbm>> -> memref<32x1024xf32, #tpu.memory_space<hbm>>
        tpu.enqueue_dma source(%dma_start3A_20 : memref<32x1024xf32, #tpu.memory_space<hbm>>) target(%arg5 : memref<32x1024xf32, #tpu.memory_space<vmem>>) target_semaphore(%run_scoped3A : memref<!tpu.dma_semaphore, #tpu.memory_space<semaphore_mem>>)
        %dma_wait3A = arith.constant 0 : i32
        %dma_wait3A_21 = tpu.memref_slice %arg2[%add3A_11, %dma_wait3A] : memref<4096x1024xf32, #tpu.memory_space<hbm>> -> memref<32x1024xf32, #tpu.memory_space<hbm>>
        %dma_wait3A_22 = arith.constant 0 : i32
        %dma_wait3A_23 = tpu.memref_slice %arg2[%add3A_11, %dma_wait3A_22] : memref<4096x1024xf32, #tpu.memory_space<hbm>> -> memref<32x1024xf32, #tpu.memory_space<hbm>>
        tpu.wait_dma2 semaphore(%run_scoped3A : memref<!tpu.dma_semaphore, #tpu.memory_space<semaphore_mem>>) src(%dma_wait3A_23 : memref<32x1024xf32, #tpu.memory_space<hbm>>) dst(%arg5 : memref<32x1024xf32, #tpu.memory_space<vmem>>)
        tpu.yield
      }) : () -> ()
      %scan3A_12 = arith.constant 0 : i32
      %scan3A_13 = arith.constant 0 : i32
      %scan3A_14 = arith.constant 32 : i32
      %scan3A_15 = arith.addi %scan3A_13, %scan3A_14 : i32
      %scan3A_16 = arith.constant 1 : i32
      scf.for %scan3A_18 = %scan3A_13 to %scan3A_15 step %scan3A_16  : i32 {
        %get3A = arith.index_cast %scan3A_18 : i32 to index
        %get3A_19 = arith.constant 0 : index
        %get3A_20 = tpu.vector_load %arg5[%get3A, %get3A_19] {strides = array<i32>} : memref<32x1024xf32, #tpu.memory_space<vmem>>, vector<1x16xf32>,
        %get3A_21 = vector.shape_cast %get3A_20 : vector<1x16xf32> to vector<16xf32>
        %get3A_22 = arith.index_cast %scan3A_18 : i32 to index
        %get3A_23 = arith.constant 0 : index
        %get3A_24 = tpu.vector_load %arg6[%get3A_22, %get3A_23] {strides = array<i32>} : memref<32x1024xf32, #tpu.memory_space<vmem>>, vector<1x16xf32>,
        %get3A_25 = vector.shape_cast %get3A_24 : vector<1x16xf32> to vector<16xf32>
        %add3A_26 = arith.addf %get3A_21, %get3A_25 : vector<16xf32>
        %swap3A = arith.index_cast %scan3A_18 : i32 to index
        %swap3A_27 = arith.constant 0 : index
        %swap3A_28 = tpu.vector_load %arg5[%swap3A, %swap3A_27] {strides = array<i32>} : memref<32x1024xf32, #tpu.memory_space<vmem>>, vector<1x16xf32>,
        %swap3A_29 = vector.shape_cast %swap3A_28 : vector<1x16xf32> to vector<16xf32>
        %swap3A_30 = vector.shape_cast %add3A_26 : vector<16xf32> to vector<1x16xf32>
        tpu.vector_store %arg5[%swap3A, %swap3A_27], %swap3A_30 {strides = array<i32>} : memref<32x1024xf32, #tpu.memory_space<vmem>>, vector<1x16xf32>,
        %get3A_31 = arith.index_cast %scan3A_18 : i32 to index
        %get3A_32 = arith.constant 16 : index
        %get3A_33 = tpu.vector_load %arg5[%get3A_31, %get3A_32] {strides = array<i32>} : memref<32x1024xf32, #tpu.memory_space<vmem>>, vector<1x16xf32>,
        %get3A_34 = vector.shape_cast %get3A_33 : vector<1x16xf32> to vector<16xf32>
        %get3A_35 = arith.index_cast %scan3A_18 : i32 to index
        %get3A_36 = arith.constant 16 : index
        %get3A_37 = tpu.vector_load %arg6[%get3A_35, %get3A_36] {strides = array<i32>} : memref<32x1024xf32, #tpu.memory_space<vmem>>, vector<1x16xf32>,
        %get3A_38 = vector.shape_cast %get3A_37 : vector<1x16xf32> to vector<16xf32>
        %add3A_39 = arith.addf %get3A_34, %get3A_38 : vector<16xf32>
        %swap3A_40 = arith.index_cast %scan3A_18 : i32 to index
        %swap3A_41 = arith.constant 16 : index
        %swap3A_42 = tpu.vector_load %arg5[%swap3A_40, %swap3A_41] {strides = array<i32>} : memref<32x1024xf32, #tpu.memory_space<vmem>>, vector<1x16xf32>,
        %swap3A_43 = vector.shape_cast %swap3A_42 : vector<1x16xf32> to vector<16xf32>
        %swap3A_44 = vector.shape_cast %add3A_39 : vector<16xf32> to vector<1x16xf32>
        tpu.vector_store %arg5[%swap3A_40, %swap3A_41], %swap3A_44 {strides = array<i32>} : memref<32x1024xf32, #tpu.memory_space<vmem>>, vector<1x16xf32>,
        %get3A_45 = arith.index_cast %scan3A_18 : i32 to index
        %get3A_46 = arith.constant 32 : index
        %get3A_47 = tpu.vector_load %arg5[%get3A_45, %get3A_46] {strides = array<i32>} : memref<32x1024xf32, #tpu.memory_space<vmem>>, vector<1x16xf32>,
        %get3A_48 = vector.shape_cast %get3A_47 : vector<1x16xf32> to vector<16xf32>
        %get3A_49 = arith.index_cast %scan3A_18 : i32 to index
        %get3A_50 = arith.constant 32 : index
        %get3A_51 = tpu.vector_load %arg6[%get3A_49, %get3A_50] {strides = array<i32>} : memref<32x1024xf32, #tpu.memory_space<vmem>>, vector<1x16xf32>,
        %get3A_52 = vector.shape_cast %get3A_51 : vector<1x16xf32> to vector<16xf32>
        %add3A_53 = arith.addf %get3A_48, %get3A_52 : vector<16xf32>
        %swap3A_54 = arith.index_cast %scan3A_18 : i32 to index
        %swap3A_55 = arith.constant 32 : index
        %swap3A_56 = tpu.vector_load %arg5[%swap3A_54, %swap3A_55] {strides = array<i32>} : memref<32x1024xf32, #tpu.memory_space<vmem>>, vector<1x16xf32>,
        %swap3A_57 = vector.shape_cast %swap3A_56 : vector<1x16xf32> to vector<16xf32>
        %swap3A_58 = vector.shape_cast %add3A_53 : vector<16xf32> to vector<1x16xf32>
        tpu.vector_store %arg5[%swap3A_54, %swap3A_55], %swap3A_58 {strides = array<i32>} : memref<32x1024xf32, #tpu.memory_space<vmem>>, vector<1x16xf32>,
        %get3A_59 = arith.index_cast %scan3A_18 : i32 to index
        %get3A_60 = arith.constant 48 : index
        %get3A_61 = tpu.vector_load %arg5[%get3A_59, %get3A_60] {strides = array<i32>} : memref<32x1024xf32, #tpu.memory_space<vmem>>, vector<1x16xf32>,
        %get3A_62 = vector.shape_cast %get3A_61 : vector<1x16xf32> to vector<16xf32>
        %get3A_63 = arith.index_cast %scan3A_18 : i32 to index
        %get3A_64 = arith.constant 48 : index
        %get3A_65 = tpu.vector_load %arg6[%get3A_63, %get3A_64] {strides = array<i32>} : memref<32x1024xf32, #tpu.memory_space<vmem>>, vector<1x16xf32>,
        %get3A_66 = vector.shape_cast %get3A_65 : vector<1x16xf32> to vector<16xf32>
        %add3A_67 = arith.addf %get3A_62, %get3A_66 : vector<16xf32>
        %swap3A_68 = arith.index_cast %scan3A_18 : i32 to index
        %swap3A_69 = arith.constant 48 : index
        %swap3A_70 = tpu.vector_load %arg5[%swap3A_68, %swap3A_69] {strides = array<i32>} : memref<32x1024xf32, #tpu.memory_space<vmem>>, vector<1x16xf32>,
        %swap3A_71 = vector.shape_cast %swap3A_70 : vector<1x16xf32> to vector<16xf32>
        %swap3A_72 = vector.shape_cast %add3A_67 : vector<16xf32> to vector<1x16xf32>
        tpu.vector_store %arg5[%swap3A_68, %swap3A_69], %swap3A_72 {strides = array<i32>} : memref<32x1024xf32, #tpu.memory_space<vmem>>, vector<1x16xf32>,
        %get3A_73 = arith.index_cast %scan3A_18 : i32 to index
        %get3A_74 = arith.constant 64 : index
        %get3A_75 = tpu.vector_load %arg5[%get3A_73, %get3A_74] {strides = array<i32>} : memref<32x1024xf32, #tpu.memory_space<vmem>>, vector<1x16xf32>,
        %get3A_76 = vector.shape_cast %get3A_75 : vector<1x16xf32> to vector<16xf32>
        %get3A_77 = arith.index_cast %scan3A_18 : i32 to index
        %get3A_78 = arith.constant 64 : index
        %get3A_79 = tpu.vector_load %arg6[%get3A_77, %get3A_78] {strides = array<i32>} : memref<32x1024xf32, #tpu.memory_space<vmem>>, vector<1x16xf32>,
        %get3A_80 = vector.shape_cast %get3A_79 : vector<1x16xf32> to vector<16xf32>
        %add3A_81 = arith.addf %get3A_76, %get3A_80 : vector<16xf32>
        %swap3A_82 = arith.index_cast %scan3A_18 : i32 to index
        %swap3A_83 = arith.constant 64 : index
        %swap3A_84 = tpu.vector_load %arg5[%swap3A_82, %swap3A_83] {strides = array<i32>} : memref<32x1024xf32, #tpu.memory_space<vmem>>, vector<1x16xf32>,
        %swap3A_85 = vector.shape_cast %swap3A_84 : vector<1x16xf32> to vector<16xf32>
        %swap3A_86 = vector.shape_cast %add3A_81 : vector<16xf32> to vector<1x16xf32>
        tpu.vector_store %arg5[%swap3A_82, %swap3A_83], %swap3A_86 {strides = array<i32>} : memref<32x1024xf32, #tpu.memory_space<vmem>>, vector<1x16xf32>,
        %get3A_87 = arith.index_cast %scan3A_18 : i32 to index
        %get3A_88 = arith.constant 80 : index
        %get3A_89 = tpu.vector_load %arg5[%get3A_87, %get3A_88] {strides = array<i32>} : memref<32x1024xf32, #tpu.memory_space<vmem>>, vector<1x16xf32>,
        %get3A_90 = vector.shape_cast %get3A_89 : vector<1x16xf32> to vector<16xf32>
        %get3A_91 = arith.index_cast %scan3A_18 : i32 to index
        %get3A_92 = arith.constant 80 : index
        %get3A_93 = tpu.vector_load %arg6[%get3A_91, %get3A_92] {strides = array<i32>} : memref<32x1024xf32, #tpu.memory_space<vmem>>, vector<1x16xf32>,
        %get3A_94 = vector.shape_cast %get3A_93 : vector<1x16xf32> to vector<16xf32>
        %add3A_95 = arith.addf %get3A_90, %get3A_94 : vector<16xf32>
        %swap3A_96 = arith.index_cast %scan3A_18 : i32 to index
        %swap3A_97 = arith.constant 80 : index
        %swap3A_98 = tpu.vector_load %arg5[%swap3A_96, %swap3A_97] {strides = array<i32>} : memref<32x1024xf32, #tpu.memory_space<vmem>>, vector<1x16xf32>,
        %swap3A_99 = vector.shape_cast %swap3A_98 : vector<1x16xf32> to vector<16xf32>
        %swap3A_100 = vector.shape_cast %add3A_95 : vector<16xf32> to vector<1x16xf32>
        tpu.vector_store %arg5[%swap3A_96, %swap3A_97], %swap3A_100 {strides = array<i32>} : memref<32x1024xf32, #tpu.memory_space<vmem>>, vector<1x16xf32>,
        %get3A_101 = arith.index_cast %scan3A_18 : i32 to index
        %get3A_102 = arith.constant 96 : index
        %get3A_103 = tpu.vector_load %arg5[%get3A_101, %get3A_102] {strides = array<i32>} : memref<32x1024xf32, #tpu.memory_space<vmem>>, vector<1x16xf32>,
        %get3A_104 = vector.shape_cast %get3A_103 : vector<1x16xf32> to vector<16xf32>
        %get3A_105 = arith.index_cast %scan3A_18 : i32 to index
        %get3A_106 = arith.constant 96 : index
        %get3A_107 = tpu.vector_load %arg6[%get3A_105, %get3A_106] {strides = array<i32>} : memref<32x1024xf32, #tpu.memory_space<vmem>>, vector<1x16xf32>,
        %get3A_108 = vector.shape_cast %get3A_107 : vector<1x16xf32> to vector<16xf32>
        %add3A_109 = arith.addf %get3A_104, %get3A_108 : vector<16xf32>
        %swap3A_110 = arith.index_cast %scan3A_18 : i32 to index
        %swap3A_111 = arith.constant 96 : index
        %swap3A_112 = tpu.vector_load %arg5[%swap3A_110, %swap3A_111] {strides = array<i32>} : memref<32x1024xf32, #tpu.memory_space<vmem>>, vector<1x16xf32>,
        %swap3A_113 = vector.shape_cast %swap3A_112 : vector<1x16xf32> to vector<16xf32>
        %swap3A_114 = vector.shape_cast %add3A_109 : vector<16xf32> to vector<1x16xf32>
        tpu.vector_store %arg5[%swap3A_110, %swap3A_111], %swap3A_114 {strides = array<i32>} : memref<32x1024xf32, #tpu.memory_space<vmem>>, vector<1x16xf32>,
        %get3A_115 = arith.index_cast %scan3A_18 : i32 to index
        %get3A_116 = arith.constant 112 : index
        %get3A_117 = tpu.vector_load %arg5[%get3A_115, %get3A_116] {strides = array<i32>} : memref<32x1024xf32, #tpu.memory_space<vmem>>, vector<1x16xf32>,
        %get3A_118 = vector.shape_cast %get3A_117 : vector<1x16xf32> to vector<16xf32>
        %get3A_119 = arith.index_cast %scan3A_18 : i32 to index
        %get3A_120 = arith.constant 112 : index
        %get3A_121 = tpu.vector_load %arg6[%get3A_119, %get3A_120] {strides = array<i32>} : memref<32x1024xf32, #tpu.memory_space<vmem>>, vector<1x16xf32>,
        %get3A_122 = vector.shape_cast %get3A_121 : vector<1x16xf32> to vector<16xf32>
        %add3A_123 = arith.addf %get3A_118, %get3A_122 : vector<16xf32>
        %swap3A_124 = arith.index_cast %scan3A_18 : i32 to index
        %swap3A_125 = arith.constant 112 : index
        %swap3A_126 = tpu.vector_load %arg5[%swap3A_124, %swap3A_125] {strides = array<i32>} : memref<32x1024xf32, #tpu.memory_space<vmem>>, vector<1x16xf32>,
        %swap3A_127 = vector.shape_cast %swap3A_126 : vector<1x16xf32> to vector<16xf32>
        %swap3A_128 = vector.shape_cast %add3A_123 : vector<16xf32> to vector<1x16xf32>
        tpu.vector_store %arg5[%swap3A_124, %swap3A_125], %swap3A_128 {strides = array<i32>} : memref<32x1024xf32, #tpu.memory_space<vmem>>, vector<1x16xf32>,
        %get3A_129 = arith.index_cast %scan3A_18 : i32 to index
        %get3A_130 = arith.constant 128 : index
        %get3A_131 = tpu.vector_load %arg5[%get3A_129, %get3A_130] {strides = array<i32>} : memref<32x1024xf32, #tpu.memory_space<vmem>>, vector<1x16xf32>,
        %get3A_132 = vector.shape_cast %get3A_131 : vector<1x16xf32> to vector<16xf32>
        %get3A_133 = arith.index_cast %scan3A_18 : i32 to index
        %get3A_134 = arith.constant 128 : index
        %get3A_135 = tpu.vector_load %arg6[%get3A_133, %get3A_134] {strides = array<i32>} : memref<32x1024xf32, #tpu.memory_space<vmem>>, vector<1x16xf32>,
        %get3A_136 = vector.shape_cast %get3A_135 : vector<1x16xf32> to vector<16xf32>
        %add3A_137 = arith.addf %get3A_132, %get3A_136 : vector<16xf32>
        %swap3A_138 = arith.index_cast %scan3A_18 : i32 to index
        %swap3A_139 = arith.constant 128 : index
        %swap3A_140 = tpu.vector_load %arg5[%swap3A_138, %swap3A_139] {strides = array<i32>} : memref<32x1024xf32, #tpu.memory_space<vmem>>, vector<1x16xf32>,
        %swap3A_141 = vector.shape_cast %swap3A_140 : vector<1x16xf32> to vector<16xf32>
        %swap3A_142 = vector.shape_cast %add3A_137 : vector<16xf32> to vector<1x16xf32>
        tpu.vector_store %arg5[%swap3A_138, %swap3A_139], %swap3A_142 {strides = array<i32>} : memref<32x1024xf32, #tpu.memory_space<vmem>>, vector<1x16xf32>,
        %get3A_143 = arith.index_cast %scan3A_18 : i32 to index
        %get3A_144 = arith.constant 144 : index
        %get3A_145 = tpu.vector_load %arg5[%get3A_143, %get3A_144] {strides = array<i32>} : memref<32x1024xf32, #tpu.memory_space<vmem>>, vector<1x16xf32>,
        %get3A_146 = vector.shape_cast %get3A_145 : vector<1x16xf32> to vector<16xf32>
        %get3A_147 = arith.index_cast %scan3A_18 : i32 to index
        %get3A_148 = arith.constant 144 : index
        %get3A_149 = tpu.vector_load %arg6[%get3A_147, %get3A_148] {strides = array<i32>} : memref<32x1024xf32, #tpu.memory_space<vmem>>, vector<1x16xf32>,
        %get3A_150 = vector.shape_cast %get3A_149 : vector<1x16xf32> to vector<16xf32>
        %add3A_151 = arith.addf %get3A_146, %get3A_150 : vector<16xf32>
        %swap3A_152 = arith.index_cast %scan3A_18 : i32 to index
        %swap3A_153 = arith.constant 144 : index
        %swap3A_154 = tpu.vector_load %arg5[%swap3A_152, %swap3A_153] {strides = array<i32>} : memref<32x1024xf32, #tpu.memory_space<vmem>>, vector<1x16xf32>,
        %swap3A_155 = vector.shape_cast %swap3A_154 : vector<1x16xf32> to vector<16xf32>
        %swap3A_156 = vector.shape_cast %add3A_151 : vector<16xf32> to vector<1x16xf32>
        tpu.vector_store %arg5[%swap3A_152, %swap3A_153], %swap3A_156 {strides = array<i32>} : memref<32x1024xf32, #tpu.memory_space<vmem>>, vector<1x16xf32>,
        %get3A_157 = arith.index_cast %scan3A_18 : i32 to index
        %get3A_158 = arith.constant 160 : index
        %get3A_159 = tpu.vector_load %arg5[%get3A_157, %get3A_158] {strides = array<i32>} : memref<32x1024xf32, #tpu.memory_space<vmem>>, vector<1x16xf32>,
        %get3A_160 = vector.shape_cast %get3A_159 : vector<1x16xf32> to vector<16xf32>
        %get3A_161 = arith.index_cast %scan3A_18 : i32 to index
        %get3A_162 = arith.constant 160 : index
        %get3A_163 = tpu.vector_load %arg6[%get3A_161, %get3A_162] {strides = array<i32>} : memref<32x1024xf32, #tpu.memory_space<vmem>>, vector<1x16xf32>,
        %get3A_164 = vector.shape_cast %get3A_163 : vector<1x16xf32> to vector<16xf32>
        %add3A_165 = arith.addf %get3A_160, %get3A_164 : vector<16xf32>
        %swap3A_166 = arith.index_cast %scan3A_18 : i32 to index
        %swap3A_167 = arith.constant 160 : index
        %swap3A_168 = tpu.vector_load %arg5[%swap3A_166, %swap3A_167] {strides = array<i32>} : memref<32x1024xf32, #tpu.memory_space<vmem>>, vector<1x16xf32>,
        %swap3A_169 = vector.shape_cast %swap3A_168 : vector<1x16xf32> to vector<16xf32>
        %swap3A_170 = vector.shape_cast %add3A_165 : vector<16xf32> to vector<1x16xf32>
        tpu.vector_store %arg5[%swap3A_166, %swap3A_167], %swap3A_170 {strides = array<i32>} : memref<32x1024xf32, #tpu.memory_space<vmem>>, vector<1x16xf32>,
        %get3A_171 = arith.index_cast %scan3A_18 : i32 to index
        %get3A_172 = arith.constant 176 : index
        %get3A_173 = tpu.vector_load %arg5[%get3A_171, %get3A_172] {strides = array<i32>} : memref<32x1024xf32, #tpu.memory_space<vmem>>, vector<1x16xf32>,
        %get3A_174 = vector.shape_cast %get3A_173 : vector<1x16xf32> to vector<16xf32>
        %get3A_175 = arith.index_cast %scan3A_18 : i32 to index
        %get3A_176 = arith.constant 176 : index
        %get3A_177 = tpu.vector_load %arg6[%get3A_175, %get3A_176] {strides = array<i32>} : memref<32x1024xf32, #tpu.memory_space<vmem>>, vector<1x16xf32>,
        %get3A_178 = vector.shape_cast %get3A_177 : vector<1x16xf32> to vector<16xf32>
        %add3A_179 = arith.addf %get3A_174, %get3A_178 : vector<16xf32>
        %swap3A_180 = arith.index_cast %scan3A_18 : i32 to index
        %swap3A_181 = arith.constant 176 : index
        %swap3A_182 = tpu.vector_load %arg5[%swap3A_180, %swap3A_181] {strides = array<i32>} : memref<32x1024xf32, #tpu.memory_space<vmem>>, vector<1x16xf32>,
        %swap3A_183 = vector.shape_cast %swap3A_182 : vector<1x16xf32> to vector<16xf32>
        %swap3A_184 = vector.shape_cast %add3A_179 : vector<16xf32> to vector<1x16xf32>
        tpu.vector_store %arg5[%swap3A_180, %swap3A_181], %swap3A_184 {strides = array<i32>} : memref<32x1024xf32, #tpu.memory_space<vmem>>, vector<1x16xf32>,
        %get3A_185 = arith.index_cast %scan3A_18 : i32 to index
        %get3A_186 = arith.constant 192 : index
        %get3A_187 = tpu.vector_load %arg5[%get3A_185, %get3A_186] {strides = array<i32>} : memref<32x1024xf32, #tpu.memory_space<vmem>>, vector<1x16xf32>,
        %get3A_188 = vector.shape_cast %get3A_187 : vector<1x16xf32> to vector<16xf32>
        %get3A_189 = arith.index_cast %scan3A_18 : i32 to index
        %get3A_190 = arith.constant 192 : index
        %get3A_191 = tpu.vector_load %arg6[%get3A_189, %get3A_190] {strides = array<i32>} : memref<32x1024xf32, #tpu.memory_space<vmem>>, vector<1x16xf32>,
        %get3A_192 = vector.shape_cast %get3A_191 : vector<1x16xf32> to vector<16xf32>
        %add3A_193 = arith.addf %get3A_188, %get3A_192 : vector<16xf32>
        %swap3A_194 = arith.index_cast %scan3A_18 : i32 to index
        %swap3A_195 = arith.constant 192 : index
        %swap3A_196 = tpu.vector_load %arg5[%swap3A_194, %swap3A_195] {strides = array<i32>} : memref<32x1024xf32, #tpu.memory_space<vmem>>, vector<1x16xf32>,
        %swap3A_197 = vector.shape_cast %swap3A_196 : vector<1x16xf32> to vector<16xf32>
        %swap3A_198 = vector.shape_cast %add3A_193 : vector<16xf32> to vector<1x16xf32>
        tpu.vector_store %arg5[%swap3A_194, %swap3A_195], %swap3A_198 {strides = array<i32>} : memref<32x1024xf32, #tpu.memory_space<vmem>>, vector<1x16xf32>,
        %get3A_199 = arith.index_cast %scan3A_18 : i32 to index
        %get3A_200 = arith.constant 208 : index
        %get3A_201 = tpu.vector_load %arg5[%get3A_199, %get3A_200] {strides = array<i32>} : memref<32x1024xf32, #tpu.memory_space<vmem>>, vector<1x16xf32>,
        %get3A_202 = vector.shape_cast %get3A_201 : vector<1x16xf32> to vector<16xf32>
        %get3A_203 = arith.index_cast %scan3A_18 : i32 to index
        %get3A_204 = arith.constant 208 : index
        %get3A_205 = tpu.vector_load %arg6[%get3A_203, %get3A_204] {strides = array<i32>} : memref<32x1024xf32, #tpu.memory_space<vmem>>, vector<1x16xf32>,
        %get3A_206 = vector.shape_cast %get3A_205 : vector<1x16xf32> to vector<16xf32>
        %add3A_207 = arith.addf %get3A_202, %get3A_206 : vector<16xf32>
        %swap3A_208 = arith.index_cast %scan3A_18 : i32 to index
        %swap3A_209 = arith.constant 208 : index
        %swap3A_210 = tpu.vector_load %arg5[%swap3A_208, %swap3A_209] {strides = array<i32>} : memref<32x1024xf32, #tpu.memory_space<vmem>>, vector<1x16xf32>,
        %swap3A_211 = vector.shape_cast %swap3A_210 : vector<1x16xf32> to vector<16xf32>
        %swap3A_212 = vector.shape_cast %add3A_207 : vector<16xf32> to vector<1x16xf32>
        tpu.vector_store %arg5[%swap3A_208, %swap3A_209], %swap3A_212 {strides = array<i32>} : memref<32x1024xf32, #tpu.memory_space<vmem>>, vector<1x16xf32>,
        %get3A_213 = arith.index_cast %scan3A_18 : i32 to index
        %get3A_214 = arith.constant 224 : index
        %get3A_215 = tpu.vector_load %arg5[%get3A_213, %get3A_214] {strides = array<i32>} : memref<32x1024xf32, #tpu.memory_space<vmem>>, vector<1x16xf32>,
        %get3A_216 = vector.shape_cast %get3A_215 : vector<1x16xf32> to vector<16xf32>
        %get3A_217 = arith.index_cast %scan3A_18 : i32 to index
        %get3A_218 = arith.constant 224 : index
        %get3A_219 = tpu.vector_load %arg6[%get3A_217, %get3A_218] {strides = array<i32>} : memref<32x1024xf32, #tpu.memory_space<vmem>>, vector<1x16xf32>,
        %get3A_220 = vector.shape_cast %get3A_219 : vector<1x16xf32> to vector<16xf32>
        %add3A_221 = arith.addf %get3A_216, %get3A_220 : vector<16xf32>
        %swap3A_222 = arith.index_cast %scan3A_18 : i32 to index
        %swap3A_223 = arith.constant 224 : index
        %swap3A_224 = tpu.vector_load %arg5[%swap3A_222, %swap3A_223] {strides = array<i32>} : memref<32x1024xf32, #tpu.memory_space<vmem>>, vector<1x16xf32>,
        %swap3A_225 = vector.shape_cast %swap3A_224 : vector<1x16xf32> to vector<16xf32>
        %swap3A_226 = vector.shape_cast %add3A_221 : vector<16xf32> to vector<1x16xf32>
        tpu.vector_store %arg5[%swap3A_222, %swap3A_223], %swap3A_226 {strides = array<i32>} : memref<32x1024xf32, #tpu.memory_space<vmem>>, vector<1x16xf32>,
        %get3A_227 = arith.index_cast %scan3A_18 : i32 to index
        %get3A_228 = arith.constant 240 : index
        %get3A_229 = tpu.vector_load %arg5[%get3A_227, %get3A_228] {strides = array<i32>} : memref<32x1024xf32, #tpu.memory_space<vmem>>, vector<1x16xf32>,
        %get3A_230 = vector.shape_cast %get3A_229 : vector<1x16xf32> to vector<16xf32>
        %get3A_231 = arith.index_cast %scan3A_18 : i32 to index
        %get3A_232 = arith.constant 240 : index
        %get3A_233 = tpu.vector_load %arg6[%get3A_231, %get3A_232] {strides = array<i32>} : memref<32x1024xf32, #tpu.memory_space<vmem>>, vector<1x16xf32>,
        %get3A_234 = vector.shape_cast %get3A_233 : vector<1x16xf32> to vector<16xf32>
        %add3A_235 = arith.addf %get3A_230, %get3A_234 : vector<16xf32>
        %swap3A_236 = arith.index_cast %scan3A_18 : i32 to index
        %swap3A_237 = arith.constant 240 : index
        %swap3A_238 = tpu.vector_load %arg5[%swap3A_236, %swap3A_237] {strides = array<i32>} : memref<32x1024xf32, #tpu.memory_space<vmem>>, vector<1x16xf32>,
        %swap3A_239 = vector.shape_cast %swap3A_238 : vector<1x16xf32> to vector<16xf32>
        %swap3A_240 = vector.shape_cast %add3A_235 : vector<16xf32> to vector<1x16xf32>
        tpu.vector_store %arg5[%swap3A_236, %swap3A_237], %swap3A_240 {strides = array<i32>} : memref<32x1024xf32, #tpu.memory_space<vmem>>, vector<1x16xf32>,
        %get3A_241 = arith.index_cast %scan3A_18 : i32 to index
        %get3A_242 = arith.constant 256 : index
        %get3A_243 = tpu.vector_load %arg5[%get3A_241, %get3A_242] {strides = array<i32>} : memref<32x1024xf32, #tpu.memory_space<vmem>>, vector<1x16xf32>,
        %get3A_244 = vector.shape_cast %get3A_243 : vector<1x16xf32> to vector<16xf32>
        %get3A_245 = arith.index_cast %scan3A_18 : i32 to index
        %get3A_246 = arith.constant 256 : index
        %get3A_247 = tpu.vector_load %arg6[%get3A_245, %get3A_246] {strides = array<i32>} : memref<32x1024xf32, #tpu.memory_space<vmem>>, vector<1x16xf32>,
        %get3A_248 = vector.shape_cast %get3A_247 : vector<1x16xf32> to vector<16xf32>
        %add3A_249 = arith.addf %get3A_244, %get3A_248 : vector<16xf32>
        %swap3A_250 = arith.index_cast %scan3A_18 : i32 to index
        %swap3A_251 = arith.constant 256 : index
        %swap3A_252 = tpu.vector_load %arg5[%swap3A_250, %swap3A_251] {strides = array<i32>} : memref<32x1024xf32, #tpu.memory_space<vmem>>, vector<1x16xf32>,
        %swap3A_253 = vector.shape_cast %swap3A_252 : vector<1x16xf32> to vector<16xf32>
        %swap3A_254 = vector.shape_cast %add3A_249 : vector<16xf32> to vector<1x16xf32>
        tpu.vector_store %arg5[%swap3A_250, %swap3A_251], %swap3A_254 {strides = array<i32>} : memref<32x1024xf32, #tpu.memory_space<vmem>>, vector<1x16xf32>,
        %get3A_255 = arith.index_cast %scan3A_18 : i32 to index
        %get3A_256 = arith.constant 272 : index
        %get3A_257 = tpu.vector_load %arg5[%get3A_255, %get3A_256] {strides = array<i32>} : memref<32x1024xf32, #tpu.memory_space<vmem>>, vector<1x16xf32>,
        %get3A_258 = vector.shape_cast %get3A_257 : vector<1x16xf32> to vector<16xf32>
        %get3A_259 = arith.index_cast %scan3A_18 : i32 to index
        %get3A_260 = arith.constant 272 : index
        %get3A_261 = tpu.vector_load %arg6[%get3A_259, %get3A_260] {strides = array<i32>} : memref<32x1024xf32, #tpu.memory_space<vmem>>, vector<1x16xf32>,
        %get3A_262 = vector.shape_cast %get3A_261 : vector<1x16xf32> to vector<16xf32>
        %add3A_263 = arith.addf %get3A_258, %get3A_262 : vector<16xf32>
        %swap3A_264 = arith.index_cast %scan3A_18 : i32 to index
        %swap3A_265 = arith.constant 272 : index
        %swap3A_266 = tpu.vector_load %arg5[%swap3A_264, %swap3A_265] {strides = array<i32>} : memref<32x1024xf32, #tpu.memory_space<vmem>>, vector<1x16xf32>,
        %swap3A_267 = vector.shape_cast %swap3A_266 : vector<1x16xf32> to vector<16xf32>
        %swap3A_268 = vector.shape_cast %add3A_263 : vector<16xf32> to vector<1x16xf32>
        tpu.vector_store %arg5[%swap3A_264, %swap3A_265], %swap3A_268 {strides = array<i32>} : memref<32x1024xf32, #tpu.memory_space<vmem>>, vector<1x16xf32>,
        %get3A_269 = arith.index_cast %scan3A_18 : i32 to index
        %get3A_270 = arith.constant 288 : index
        %get3A_271 = tpu.vector_load %arg5[%get3A_269, %get3A_270] {strides = array<i32>} : memref<32x1024xf32, #tpu.memory_space<vmem>>, vector<1x16xf32>,
        %get3A_272 = vector.shape_cast %get3A_271 : vector<1x16xf32> to vector<16xf32>
        %get3A_273 = arith.index_cast %scan3A_18 : i32 to index
        %get3A_274 = arith.constant 288 : index
        %get3A_275 = tpu.vector_load %arg6[%get3A_273, %get3A_274] {strides = array<i32>} : memref<32x1024xf32, #tpu.memory_space<vmem>>, vector<1x16xf32>,
        %get3A_276 = vector.shape_cast %get3A_275 : vector<1x16xf32> to vector<16xf32>
        %add3A_277 = arith.addf %get3A_272, %get3A_276 : vector<16xf32>
        %swap3A_278 = arith.index_cast %scan3A_18 : i32 to index
        %swap3A_279 = arith.constant 288 : index
        %swap3A_280 = tpu.vector_load %arg5[%swap3A_278, %swap3A_279] {strides = array<i32>} : memref<32x1024xf32, #tpu.memory_space<vmem>>, vector<1x16xf32>,
        %swap3A_281 = vector.shape_cast %swap3A_280 : vector<1x16xf32> to vector<16xf32>
        %swap3A_282 = vector.shape_cast %add3A_277 : vector<16xf32> to vector<1x16xf32>
        tpu.vector_store %arg5[%swap3A_278, %swap3A_279], %swap3A_282 {strides = array<i32>} : memref<32x1024xf32, #tpu.memory_space<vmem>>, vector<1x16xf32>,
        %get3A_283 = arith.index_cast %scan3A_18 : i32 to index
        %get3A_284 = arith.constant 304 : index
        %get3A_285 = tpu.vector_load %arg5[%get3A_283, %get3A_284] {strides = array<i32>} : memref<32x1024xf32, #tpu.memory_space<vmem>>, vector<1x16xf32>,
        %get3A_286 = vector.shape_cast %get3A_285 : vector<1x16xf32> to vector<16xf32>
        %get3A_287 = arith.index_cast %scan3A_18 : i32 to index
        %get3A_288 = arith.constant 304 : index
        %get3A_289 = tpu.vector_load %arg6[%get3A_287, %get3A_288] {strides = array<i32>} : memref<32x1024xf32, #tpu.memory_space<vmem>>, vector<1x16xf32>,
        %get3A_290 = vector.shape_cast %get3A_289 : vector<1x16xf32> to vector<16xf32>
        %add3A_291 = arith.addf %get3A_286, %get3A_290 : vector<16xf32>
        %swap3A_292 = arith.index_cast %scan3A_18 : i32 to index
        %swap3A_293 = arith.constant 304 : index
        %swap3A_294 = tpu.vector_load %arg5[%swap3A_292, %swap3A_293] {strides = array<i32>} : memref<32x1024xf32, #tpu.memory_space<vmem>>, vector<1x16xf32>,
        %swap3A_295 = vector.shape_cast %swap3A_294 : vector<1x16xf32> to vector<16xf32>
        %swap3A_296 = vector.shape_cast %add3A_291 : vector<16xf32> to vector<1x16xf32>
        tpu.vector_store %arg5[%swap3A_292, %swap3A_293], %swap3A_296 {strides = array<i32>} : memref<32x1024xf32, #tpu.memory_space<vmem>>, vector<1x16xf32>,
        %get3A_297 = arith.index_cast %scan3A_18 : i32 to index
        %get3A_298 = arith.constant 320 : index
        %get3A_299 = tpu.vector_load %arg5[%get3A_297, %get3A_298] {strides = array<i32>} : memref<32x1024xf32, #tpu.memory_space<vmem>>, vector<1x16xf32>,
        %get3A_300 = vector.shape_cast %get3A_299 : vector<1x16xf32> to vector<16xf32>
        %get3A_301 = arith.index_cast %scan3A_18 : i32 to index
        %get3A_302 = arith.constant 320 : index
        %get3A_303 = tpu.vector_load %arg6[%get3A_301, %get3A_302] {strides = array<i32>} : memref<32x1024xf32, #tpu.memory_space<vmem>>, vector<1x16xf32>,
        %get3A_304 = vector.shape_cast %get3A_303 : vector<1x16xf32> to vector<16xf32>
        %add3A_305 = arith.addf %get3A_300, %get3A_304 : vector<16xf32>
        %swap3A_306 = arith.index_cast %scan3A_18 : i32 to index
        %swap3A_307 = arith.constant 320 : index
        %swap3A_308 = tpu.vector_load %arg5[%swap3A_306, %swap3A_307] {strides = array<i32>} : memref<32x1024xf32, #tpu.memory_space<vmem>>, vector<1x16xf32>,
        %swap3A_309 = vector.shape_cast %swap3A_308 : vector<1x16xf32> to vector<16xf32>
        %swap3A_310 = vector.shape_cast %add3A_305 : vector<16xf32> to vector<1x16xf32>
        tpu.vector_store %arg5[%swap3A_306, %swap3A_307], %swap3A_310 {strides = array<i32>} : memref<32x1024xf32, #tpu.memory_space<vmem>>, vector<1x16xf32>,
        %get3A_311 = arith.index_cast %scan3A_18 : i32 to index
        %get3A_312 = arith.constant 336 : index
        %get3A_313 = tpu.vector_load %arg5[%get3A_311, %get3A_312] {strides = array<i32>} : memref<32x1024xf32, #tpu.memory_space<vmem>>, vector<1x16xf32>,
        %get3A_314 = vector.shape_cast %get3A_313 : vector<1x16xf32> to vector<16xf32>
        %get3A_315 = arith.index_cast %scan3A_18 : i32 to index
        %get3A_316 = arith.constant 336 : index
        %get3A_317 = tpu.vector_load %arg6[%get3A_315, %get3A_316] {strides = array<i32>} : memref<32x1024xf32, #tpu.memory_space<vmem>>, vector<1x16xf32>,
        %get3A_318 = vector.shape_cast %get3A_317 : vector<1x16xf32> to vector<16xf32>
        %add3A_319 = arith.addf %get3A_314, %get3A_318 : vector<16xf32>
        %swap3A_320 = arith.index_cast %scan3A_18 : i32 to index
        %swap3A_321 = arith.constant 336 : index
        %swap3A_322 = tpu.vector_load %arg5[%swap3A_320, %swap3A_321] {strides = array<i32>} : memref<32x1024xf32, #tpu.memory_space<vmem>>, vector<1x16xf32>,
        %swap3A_323 = vector.shape_cast %swap3A_322 : vector<1x16xf32> to vector<16xf32>
        %swap3A_324 = vector.shape_cast %add3A_319 : vector<16xf32> to vector<1x16xf32>
        tpu.vector_store %arg5[%swap3A_320, %swap3A_321], %swap3A_324 {strides = array<i32>} : memref<32x1024xf32, #tpu.memory_space<vmem>>, vector<1x16xf32>,
        %get3A_325 = arith.index_cast %scan3A_18 : i32 to index
        %get3A_326 = arith.constant 352 : index
        %get3A_327 = tpu.vector_load %arg5[%get3A_325, %get3A_326] {strides = array<i32>} : memref<32x1024xf32, #tpu.memory_space<vmem>>, vector<1x16xf32>,
        %get3A_328 = vector.shape_cast %get3A_327 : vector<1x16xf32> to vector<16xf32>
        %get3A_329 = arith.index_cast %scan3A_18 : i32 to index
        %get3A_330 = arith.constant 352 : index
        %get3A_331 = tpu.vector_load %arg6[%get3A_329, %get3A_330] {strides = array<i32>} : memref<32x1024xf32, #tpu.memory_space<vmem>>, vector<1x16xf32>,
        %get3A_332 = vector.shape_cast %get3A_331 : vector<1x16xf32> to vector<16xf32>
        %add3A_333 = arith.addf %get3A_328, %get3A_332 : vector<16xf32>
        %swap3A_334 = arith.index_cast %scan3A_18 : i32 to index
        %swap3A_335 = arith.constant 352 : index
        %swap3A_336 = tpu.vector_load %arg5[%swap3A_334, %swap3A_335] {strides = array<i32>} : memref<32x1024xf32, #tpu.memory_space<vmem>>, vector<1x16xf32>,
        %swap3A_337 = vector.shape_cast %swap3A_336 : vector<1x16xf32> to vector<16xf32>
        %swap3A_338 = vector.shape_cast %add3A_333 : vector<16xf32> to vector<1x16xf32>
        tpu.vector_store %arg5[%swap3A_334, %swap3A_335], %swap3A_338 {strides = array<i32>} : memref<32x1024xf32, #tpu.memory_space<vmem>>, vector<1x16xf32>,
        %get3A_339 = arith.index_cast %scan3A_18 : i32 to index
        %get3A_340 = arith.constant 368 : index
        %get3A_341 = tpu.vector_load %arg5[%get3A_339, %get3A_340] {strides = array<i32>} : memref<32x1024xf32, #tpu.memory_space<vmem>>, vector<1x16xf32>,
        %get3A_342 = vector.shape_cast %get3A_341 : vector<1x16xf32> to vector<16xf32>
        %get3A_343 = arith.index_cast %scan3A_18 : i32 to index
        %get3A_344 = arith.constant 368 : index
        %get3A_345 = tpu.vector_load %arg6[%get3A_343, %get3A_344] {strides = array<i32>} : memref<32x1024xf32, #tpu.memory_space<vmem>>, vector<1x16xf32>,
        %get3A_346 = vector.shape_cast %get3A_345 : vector<1x16xf32> to vector<16xf32>
        %add3A_347 = arith.addf %get3A_342, %get3A_346 : vector<16xf32>
        %swap3A_348 = arith.index_cast %scan3A_18 : i32 to index
        %swap3A_349 = arith.constant 368 : index
        %swap3A_350 = tpu.vector_load %arg5[%swap3A_348, %swap3A_349] {strides = array<i32>} : memref<32x1024xf32, #tpu.memory_space<vmem>>, vector<1x16xf32>,
        %swap3A_351 = vector.shape_cast %swap3A_350 : vector<1x16xf32> to vector<16xf32>
        %swap3A_352 = vector.shape_cast %add3A_347 : vector<16xf32> to vector<1x16xf32>
        tpu.vector_store %arg5[%swap3A_348, %swap3A_349], %swap3A_352 {strides = array<i32>} : memref<32x1024xf32, #tpu.memory_space<vmem>>, vector<1x16xf32>,
        %get3A_353 = arith.index_cast %scan3A_18 : i32 to index
        %get3A_354 = arith.constant 384 : index
        %get3A_355 = tpu.vector_load %arg5[%get3A_353, %get3A_354] {strides = array<i32>} : memref<32x1024xf32, #tpu.memory_space<vmem>>, vector<1x16xf32>,
        %get3A_356 = vector.shape_cast %get3A_355 : vector<1x16xf32> to vector<16xf32>
        %get3A_357 = arith.index_cast %scan3A_18 : i32 to index
        %get3A_358 = arith.constant 384 : index
        %get3A_359 = tpu.vector_load %arg6[%get3A_357, %get3A_358] {strides = array<i32>} : memref<32x1024xf32, #tpu.memory_space<vmem>>, vector<1x16xf32>,
        %get3A_360 = vector.shape_cast %get3A_359 : vector<1x16xf32> to vector<16xf32>
        %add3A_361 = arith.addf %get3A_356, %get3A_360 : vector<16xf32>
        %swap3A_362 = arith.index_cast %scan3A_18 : i32 to index
        %swap3A_363 = arith.constant 384 : index
        %swap3A_364 = tpu.vector_load %arg5[%swap3A_362, %swap3A_363] {strides = array<i32>} : memref<32x1024xf32, #tpu.memory_space<vmem>>, vector<1x16xf32>,
        %swap3A_365 = vector.shape_cast %swap3A_364 : vector<1x16xf32> to vector<16xf32>
        %swap3A_366 = vector.shape_cast %add3A_361 : vector<16xf32> to vector<1x16xf32>
        tpu.vector_store %arg5[%swap3A_362, %swap3A_363], %swap3A_366 {strides = array<i32>} : memref<32x1024xf32, #tpu.memory_space<vmem>>, vector<1x16xf32>,
        %get3A_367 = arith.index_cast %scan3A_18 : i32 to index
        %get3A_368 = arith.constant 400 : index
        %get3A_369 = tpu.vector_load %arg5[%get3A_367, %get3A_368] {strides = array<i32>} : memref<32x1024xf32, #tpu.memory_space<vmem>>, vector<1x16xf32>,
        %get3A_370 = vector.shape_cast %get3A_369 : vector<1x16xf32> to vector<16xf32>
        %get3A_371 = arith.index_cast %scan3A_18 : i32 to index
        %get3A_372 = arith.constant 400 : index
        %get3A_373 = tpu.vector_load %arg6[%get3A_371, %get3A_372] {strides = array<i32>} : memref<32x1024xf32, #tpu.memory_space<vmem>>, vector<1x16xf32>,
        %get3A_374 = vector.shape_cast %get3A_373 : vector<1x16xf32> to vector<16xf32>
        %add3A_375 = arith.addf %get3A_370, %get3A_374 : vector<16xf32>
        %swap3A_376 = arith.index_cast %scan3A_18 : i32 to index
        %swap3A_377 = arith.constant 400 : index
        %swap3A_378 = tpu.vector_load %arg5[%swap3A_376, %swap3A_377] {strides = array<i32>} : memref<32x1024xf32, #tpu.memory_space<vmem>>, vector<1x16xf32>,
        %swap3A_379 = vector.shape_cast %swap3A_378 : vector<1x16xf32> to vector<16xf32>
        %swap3A_380 = vector.shape_cast %add3A_375 : vector<16xf32> to vector<1x16xf32>
        tpu.vector_store %arg5[%swap3A_376, %swap3A_377], %swap3A_380 {strides = array<i32>} : memref<32x1024xf32, #tpu.memory_space<vmem>>, vector<1x16xf32>,
        %get3A_381 = arith.index_cast %scan3A_18 : i32 to index
        %get3A_382 = arith.constant 416 : index
        %get3A_383 = tpu.vector_load %arg5[%get3A_381, %get3A_382] {strides = array<i32>} : memref<32x1024xf32, #tpu.memory_space<vmem>>, vector<1x16xf32>,
        %get3A_384 = vector.shape_cast %get3A_383 : vector<1x16xf32> to vector<16xf32>
        %get3A_385 = arith.index_cast %scan3A_18 : i32 to index
        %get3A_386 = arith.constant 416 : index
        %get3A_387 = tpu.vector_load %arg6[%get3A_385, %get3A_386] {strides = array<i32>} : memref<32x1024xf32, #tpu.memory_space<vmem>>, vector<1x16xf32>,
        %get3A_388 = vector.shape_cast %get3A_387 : vector<1x16xf32> to vector<16xf32>
        %add3A_389 = arith.addf %get3A_384, %get3A_388 : vector<16xf32>
        %swap3A_390 = arith.index_cast %scan3A_18 : i32 to index
        %swap3A_391 = arith.constant 416 : index
        %swap3A_392 = tpu.vector_load %arg5[%swap3A_390, %swap3A_391] {strides = array<i32>} : memref<32x1024xf32, #tpu.memory_space<vmem>>, vector<1x16xf32>,
        %swap3A_393 = vector.shape_cast %swap3A_392 : vector<1x16xf32> to vector<16xf32>
        %swap3A_394 = vector.shape_cast %add3A_389 : vector<16xf32> to vector<1x16xf32>
        tpu.vector_store %arg5[%swap3A_390, %swap3A_391], %swap3A_394 {strides = array<i32>} : memref<32x1024xf32, #tpu.memory_space<vmem>>, vector<1x16xf32>,
        %get3A_395 = arith.index_cast %scan3A_18 : i32 to index
        %get3A_396 = arith.constant 432 : index
        %get3A_397 = tpu.vector_load %arg5[%get3A_395, %get3A_396] {strides = array<i32>} : memref<32x1024xf32, #tpu.memory_space<vmem>>, vector<1x16xf32>,
        %get3A_398 = vector.shape_cast %get3A_397 : vector<1x16xf32> to vector<16xf32>
        %get3A_399 = arith.index_cast %scan3A_18 : i32 to index
        %get3A_400 = arith.constant 432 : index
        %get3A_401 = tpu.vector_load %arg6[%get3A_399, %get3A_400] {strides = array<i32>} : memref<32x1024xf32, #tpu.memory_space<vmem>>, vector<1x16xf32>,
        %get3A_402 = vector.shape_cast %get3A_401 : vector<1x16xf32> to vector<16xf32>
        %add3A_403 = arith.addf %get3A_398, %get3A_402 : vector<16xf32>
        %swap3A_404 = arith.index_cast %scan3A_18 : i32 to index
        %swap3A_405 = arith.constant 432 : index
        %swap3A_406 = tpu.vector_load %arg5[%swap3A_404, %swap3A_405] {strides = array<i32>} : memref<32x1024xf32, #tpu.memory_space<vmem>>, vector<1x16xf32>,
        %swap3A_407 = vector.shape_cast %swap3A_406 : vector<1x16xf32> to vector<16xf32>
        %swap3A_408 = vector.shape_cast %add3A_403 : vector<16xf32> to vector<1x16xf32>
        tpu.vector_store %arg5[%swap3A_404, %swap3A_405], %swap3A_408 {strides = array<i32>} : memref<32x1024xf32, #tpu.memory_space<vmem>>, vector<1x16xf32>,
        %get3A_409 = arith.index_cast %scan3A_18 : i32 to index
        %get3A_410 = arith.constant 448 : index
        %get3A_411 = tpu.vector_load %arg5[%get3A_409, %get3A_410] {strides = array<i32>} : memref<32x1024xf32, #tpu.memory_space<vmem>>, vector<1x16xf32>,
        %get3A_412 = vector.shape_cast %get3A_411 : vector<1x16xf32> to vector<16xf32>
        %get3A_413 = arith.index_cast %scan3A_18 : i32 to index
        %get3A_414 = arith.constant 448 : index
        %get3A_415 = tpu.vector_load %arg6[%get3A_413, %get3A_414] {strides = array<i32>} : memref<32x1024xf32, #tpu.memory_space<vmem>>, vector<1x16xf32>,
        %get3A_416 = vector.shape_cast %get3A_415 : vector<1x16xf32> to vector<16xf32>
        %add3A_417 = arith.addf %get3A_412, %get3A_416 : vector<16xf32>
        %swap3A_418 = arith.index_cast %scan3A_18 : i32 to index
        %swap3A_419 = arith.constant 448 : index
        %swap3A_420 = tpu.vector_load %arg5[%swap3A_418, %swap3A_419] {strides = array<i32>} : memref<32x1024xf32, #tpu.memory_space<vmem>>, vector<1x16xf32>,
        %swap3A_421 = vector.shape_cast %swap3A_420 : vector<1x16xf32> to vector<16xf32>
        %swap3A_422 = vector.shape_cast %add3A_417 : vector<16xf32> to vector<1x16xf32>
        tpu.vector_store %arg5[%swap3A_418, %swap3A_419], %swap3A_422 {strides = array<i32>} : memref<32x1024xf32, #tpu.memory_space<vmem>>, vector<1x16xf32>,
        %get3A_423 = arith.index_cast %scan3A_18 : i32 to index
        %get3A_424 = arith.constant 464 : index
        %get3A_425 = tpu.vector_load %arg5[%get3A_423, %get3A_424] {strides = array<i32>} : memref<32x1024xf32, #tpu.memory_space<vmem>>, vector<1x16xf32>,
        %get3A_426 = vector.shape_cast %get3A_425 : vector<1x16xf32> to vector<16xf32>
        %get3A_427 = arith.index_cast %scan3A_18 : i32 to index
        %get3A_428 = arith.constant 464 : index
        %get3A_429 = tpu.vector_load %arg6[%get3A_427, %get3A_428] {strides = array<i32>} : memref<32x1024xf32, #tpu.memory_space<vmem>>, vector<1x16xf32>,
        %get3A_430 = vector.shape_cast %get3A_429 : vector<1x16xf32> to vector<16xf32>
        %add3A_431 = arith.addf %get3A_426, %get3A_430 : vector<16xf32>
        %swap3A_432 = arith.index_cast %scan3A_18 : i32 to index
        %swap3A_433 = arith.constant 464 : index
        %swap3A_434 = tpu.vector_load %arg5[%swap3A_432, %swap3A_433] {strides = array<i32>} : memref<32x1024xf32, #tpu.memory_space<vmem>>, vector<1x16xf32>,
        %swap3A_435 = vector.shape_cast %swap3A_434 : vector<1x16xf32> to vector<16xf32>
        %swap3A_436 = vector.shape_cast %add3A_431 : vector<16xf32> to vector<1x16xf32>
        tpu.vector_store %arg5[%swap3A_432, %swap3A_433], %swap3A_436 {strides = array<i32>} : memref<32x1024xf32, #tpu.memory_space<vmem>>, vector<1x16xf32>,
        %get3A_437 = arith.index_cast %scan3A_18 : i32 to index
        %get3A_438 = arith.constant 480 : index
        %get3A_439 = tpu.vector_load %arg5[%get3A_437, %get3A_438] {strides = array<i32>} : memref<32x1024xf32, #tpu.memory_space<vmem>>, vector<1x16xf32>,
        %get3A_440 = vector.shape_cast %get3A_439 : vector<1x16xf32> to vector<16xf32>
        %get3A_441 = arith.index_cast %scan3A_18 : i32 to index
        %get3A_442 = arith.constant 480 : index
        %get3A_443 = tpu.vector_load %arg6[%get3A_441, %get3A_442] {strides = array<i32>} : memref<32x1024xf32, #tpu.memory_space<vmem>>, vector<1x16xf32>,
        %get3A_444 = vector.shape_cast %get3A_443 : vector<1x16xf32> to vector<16xf32>
        %add3A_445 = arith.addf %get3A_440, %get3A_444 : vector<16xf32>
        %swap3A_446 = arith.index_cast %scan3A_18 : i32 to index
        %swap3A_447 = arith.constant 480 : index
        %swap3A_448 = tpu.vector_load %arg5[%swap3A_446, %swap3A_447] {strides = array<i32>} : memref<32x1024xf32, #tpu.memory_space<vmem>>, vector<1x16xf32>,
        %swap3A_449 = vector.shape_cast %swap3A_448 : vector<1x16xf32> to vector<16xf32>
        %swap3A_450 = vector.shape_cast %add3A_445 : vector<16xf32> to vector<1x16xf32>
        tpu.vector_store %arg5[%swap3A_446, %swap3A_447], %swap3A_450 {strides = array<i32>} : memref<32x1024xf32, #tpu.memory_space<vmem>>, vector<1x16xf32>,
        %get3A_451 = arith.index_cast %scan3A_18 : i32 to index
        %get3A_452 = arith.constant 496 : index
        %get3A_453 = tpu.vector_load %arg5[%get3A_451, %get3A_452] {strides = array<i32>} : memref<32x1024xf32, #tpu.memory_space<vmem>>, vector<1x16xf32>,
        %get3A_454 = vector.shape_cast %get3A_453 : vector<1x16xf32> to vector<16xf32>
        %get3A_455 = arith.index_cast %scan3A_18 : i32 to index
        %get3A_456 = arith.constant 496 : index
        %get3A_457 = tpu.vector_load %arg6[%get3A_455, %get3A_456] {strides = array<i32>} : memref<32x1024xf32, #tpu.memory_space<vmem>>, vector<1x16xf32>,
        %get3A_458 = vector.shape_cast %get3A_457 : vector<1x16xf32> to vector<16xf32>
        %add3A_459 = arith.addf %get3A_454, %get3A_458 : vector<16xf32>
        %swap3A_460 = arith.index_cast %scan3A_18 : i32 to index
        %swap3A_461 = arith.constant 496 : index
        %swap3A_462 = tpu.vector_load %arg5[%swap3A_460, %swap3A_461] {strides = array<i32>} : memref<32x1024xf32, #tpu.memory_space<vmem>>, vector<1x16xf32>,
        %swap3A_463 = vector.shape_cast %swap3A_462 : vector<1x16xf32> to vector<16xf32>
        %swap3A_464 = vector.shape_cast %add3A_459 : vector<16xf32> to vector<1x16xf32>
        tpu.vector_store %arg5[%swap3A_460, %swap3A_461], %swap3A_464 {strides = array<i32>} : memref<32x1024xf32, #tpu.memory_space<vmem>>, vector<1x16xf32>,
        %get3A_465 = arith.index_cast %scan3A_18 : i32 to index
        %get3A_466 = arith.constant 512 : index
        %get3A_467 = tpu.vector_load %arg5[%get3A_465, %get3A_466] {strides = array<i32>} : memref<32x1024xf32, #tpu.memory_space<vmem>>, vector<1x16xf32>,
        %get3A_468 = vector.shape_cast %get3A_467 : vector<1x16xf32> to vector<16xf32>
        %get3A_469 = arith.index_cast %scan3A_18 : i32 to index
        %get3A_470 = arith.constant 512 : index
        %get3A_471 = tpu.vector_load %arg6[%get3A_469, %get3A_470] {strides = array<i32>} : memref<32x1024xf32, #tpu.memory_space<vmem>>, vector<1x16xf32>,
        %get3A_472 = vector.shape_cast %get3A_471 : vector<1x16xf32> to vector<16xf32>
        %add3A_473 = arith.addf %get3A_468, %get3A_472 : vector<16xf32>
        %swap3A_474 = arith.index_cast %scan3A_18 : i32 to index
        %swap3A_475 = arith.constant 512 : index
        %swap3A_476 = tpu.vector_load %arg5[%swap3A_474, %swap3A_475] {strides = array<i32>} : memref<32x1024xf32, #tpu.memory_space<vmem>>, vector<1x16xf32>,
        %swap3A_477 = vector.shape_cast %swap3A_476 : vector<1x16xf32> to vector<16xf32>
        %swap3A_478 = vector.shape_cast %add3A_473 : vector<16xf32> to vector<1x16xf32>
        tpu.vector_store %arg5[%swap3A_474, %swap3A_475], %swap3A_478 {strides = array<i32>} : memref<32x1024xf32, #tpu.memory_space<vmem>>, vector<1x16xf32>,
        %get3A_479 = arith.index_cast %scan3A_18 : i32 to index
        %get3A_480 = arith.constant 528 : index
        %get3A_481 = tpu.vector_load %arg5[%get3A_479, %get3A_480] {strides = array<i32>} : memref<32x1024xf32, #tpu.memory_space<vmem>>, vector<1x16xf32>,
        %get3A_482 = vector.shape_cast %get3A_481 : vector<1x16xf32> to vector<16xf32>
        %get3A_483 = arith.index_cast %scan3A_18 : i32 to index
        %get3A_484 = arith.constant 528 : index
        %get3A_485 = tpu.vector_load %arg6[%get3A_483, %get3A_484] {strides = array<i32>} : memref<32x1024xf32, #tpu.memory_space<vmem>>, vector<1x16xf32>,
        %get3A_486 = vector.shape_cast %get3A_485 : vector<1x16xf32> to vector<16xf32>
        %add3A_487 = arith.addf %get3A_482, %get3A_486 : vector<16xf32>
        %swap3A_488 = arith.index_cast %scan3A_18 : i32 to index
        %swap3A_489 = arith.constant 528 : index
        %swap3A_490 = tpu.vector_load %arg5[%swap3A_488, %swap3A_489] {strides = array<i32>} : memref<32x1024xf32, #tpu.memory_space<vmem>>, vector<1x16xf32>,
        %swap3A_491 = vector.shape_cast %swap3A_490 : vector<1x16xf32> to vector<16xf32>
        %swap3A_492 = vector.shape_cast %add3A_487 : vector<16xf32> to vector<1x16xf32>
        tpu.vector_store %arg5[%swap3A_488, %swap3A_489], %swap3A_492 {strides = array<i32>} : memref<32x1024xf32, #tpu.memory_space<vmem>>, vector<1x16xf32>,
        %get3A_493 = arith.index_cast %scan3A_18 : i32 to index
        %get3A_494 = arith.constant 544 : index
        %get3A_495 = tpu.vector_load %arg5[%get3A_493, %get3A_494] {strides = array<i32>} : memref<32x1024xf32, #tpu.memory_space<vmem>>, vector<1x16xf32>,
        %get3A_496 = vector.shape_cast %get3A_495 : vector<1x16xf32> to vector<16xf32>
        %get3A_497 = arith.index_cast %scan3A_18 : i32 to index
        %get3A_498 = arith.constant 544 : index
        %get3A_499 = tpu.vector_load %arg6[%get3A_497, %get3A_498] {strides = array<i32>} : memref<32x1024xf32, #tpu.memory_space<vmem>>, vector<1x16xf32>,
        %get3A_500 = vector.shape_cast %get3A_499 : vector<1x16xf32> to vector<16xf32>
        %add3A_501 = arith.addf %get3A_496, %get3A_500 : vector<16xf32>
        %swap3A_502 = arith.index_cast %scan3A_18 : i32 to index
        %swap3A_503 = arith.constant 544 : index
        %swap3A_504 = tpu.vector_load %arg5[%swap3A_502, %swap3A_503] {strides = array<i32>} : memref<32x1024xf32, #tpu.memory_space<vmem>>, vector<1x16xf32>,
        %swap3A_505 = vector.shape_cast %swap3A_504 : vector<1x16xf32> to vector<16xf32>
        %swap3A_506 = vector.shape_cast %add3A_501 : vector<16xf32> to vector<1x16xf32>
        tpu.vector_store %arg5[%swap3A_502, %swap3A_503], %swap3A_506 {strides = array<i32>} : memref<32x1024xf32, #tpu.memory_space<vmem>>, vector<1x16xf32>,
        %get3A_507 = arith.index_cast %scan3A_18 : i32 to index
        %get3A_508 = arith.constant 560 : index
        %get3A_509 = tpu.vector_load %arg5[%get3A_507, %get3A_508] {strides = array<i32>} : memref<32x1024xf32, #tpu.memory_space<vmem>>, vector<1x16xf32>,
        %get3A_510 = vector.shape_cast %get3A_509 : vector<1x16xf32> to vector<16xf32>
        %get3A_511 = arith.index_cast %scan3A_18 : i32 to index
        %get3A_512 = arith.constant 560 : index
        %get3A_513 = tpu.vector_load %arg6[%get3A_511, %get3A_512] {strides = array<i32>} : memref<32x1024xf32, #tpu.memory_space<vmem>>, vector<1x16xf32>,
        %get3A_514 = vector.shape_cast %get3A_513 : vector<1x16xf32> to vector<16xf32>
        %add3A_515 = arith.addf %get3A_510, %get3A_514 : vector<16xf32>
        %swap3A_516 = arith.index_cast %scan3A_18 : i32 to index
        %swap3A_517 = arith.constant 560 : index
        %swap3A_518 = tpu.vector_load %arg5[%swap3A_516, %swap3A_517] {strides = array<i32>} : memref<32x1024xf32, #tpu.memory_space<vmem>>, vector<1x16xf32>,
        %swap3A_519 = vector.shape_cast %swap3A_518 : vector<1x16xf32> to vector<16xf32>
        %swap3A_520 = vector.shape_cast %add3A_515 : vector<16xf32> to vector<1x16xf32>
        tpu.vector_store %arg5[%swap3A_516, %swap3A_517], %swap3A_520 {strides = array<i32>} : memref<32x1024xf32, #tpu.memory_space<vmem>>, vector<1x16xf32>,
        %get3A_521 = arith.index_cast %scan3A_18 : i32 to index
        %get3A_522 = arith.constant 576 : index
        %get3A_523 = tpu.vector_load %arg5[%get3A_521, %get3A_522] {strides = array<i32>} : memref<32x1024xf32, #tpu.memory_space<vmem>>, vector<1x16xf32>,
        %get3A_524 = vector.shape_cast %get3A_523 : vector<1x16xf32> to vector<16xf32>
        %get3A_525 = arith.index_cast %scan3A_18 : i32 to index
        %get3A_526 = arith.constant 576 : index
        %get3A_527 = tpu.vector_load %arg6[%get3A_525, %get3A_526] {strides = array<i32>} : memref<32x1024xf32, #tpu.memory_space<vmem>>, vector<1x16xf32>,
        %get3A_528 = vector.shape_cast %get3A_527 : vector<1x16xf32> to vector<16xf32>
        %add3A_529 = arith.addf %get3A_524, %get3A_528 : vector<16xf32>
        %swap3A_530 = arith.index_cast %scan3A_18 : i32 to index
        %swap3A_531 = arith.constant 576 : index
        %swap3A_532 = tpu.vector_load %arg5[%swap3A_530, %swap3A_531] {strides = array<i32>} : memref<32x1024xf32, #tpu.memory_space<vmem>>, vector<1x16xf32>,
        %swap3A_533 = vector.shape_cast %swap3A_532 : vector<1x16xf32> to vector<16xf32>
        %swap3A_534 = vector.shape_cast %add3A_529 : vector<16xf32> to vector<1x16xf32>
        tpu.vector_store %arg5[%swap3A_530, %swap3A_531], %swap3A_534 {strides = array<i32>} : memref<32x1024xf32, #tpu.memory_space<vmem>>, vector<1x16xf32>,
        %get3A_535 = arith.index_cast %scan3A_18 : i32 to index
        %get3A_536 = arith.constant 592 : index
        %get3A_537 = tpu.vector_load %arg5[%get3A_535, %get3A_536] {strides = array<i32>} : memref<32x1024xf32, #tpu.memory_space<vmem>>, vector<1x16xf32>,
        %get3A_538 = vector.shape_cast %get3A_537 : vector<1x16xf32> to vector<16xf32>
        %get3A_539 = arith.index_cast %scan3A_18 : i32 to index
        %get3A_540 = arith.constant 592 : index
        %get3A_541 = tpu.vector_load %arg6[%get3A_539, %get3A_540] {strides = array<i32>} : memref<32x1024xf32, #tpu.memory_space<vmem>>, vector<1x16xf32>,
        %get3A_542 = vector.shape_cast %get3A_541 : vector<1x16xf32> to vector<16xf32>
        %add3A_543 = arith.addf %get3A_538, %get3A_542 : vector<16xf32>
        %swap3A_544 = arith.index_cast %scan3A_18 : i32 to index
        %swap3A_545 = arith.constant 592 : index
        %swap3A_546 = tpu.vector_load %arg5[%swap3A_544, %swap3A_545] {strides = array<i32>} : memref<32x1024xf32, #tpu.memory_space<vmem>>, vector<1x16xf32>,
        %swap3A_547 = vector.shape_cast %swap3A_546 : vector<1x16xf32> to vector<16xf32>
        %swap3A_548 = vector.shape_cast %add3A_543 : vector<16xf32> to vector<1x16xf32>
        tpu.vector_store %arg5[%swap3A_544, %swap3A_545], %swap3A_548 {strides = array<i32>} : memref<32x1024xf32, #tpu.memory_space<vmem>>, vector<1x16xf32>,
        %get3A_549 = arith.index_cast %scan3A_18 : i32 to index
        %get3A_550 = arith.constant 608 : index
        %get3A_551 = tpu.vector_load %arg5[%get3A_549, %get3A_550] {strides = array<i32>} : memref<32x1024xf32, #tpu.memory_space<vmem>>, vector<1x16xf32>,
        %get3A_552 = vector.shape_cast %get3A_551 : vector<1x16xf32> to vector<16xf32>
        %get3A_553 = arith.index_cast %scan3A_18 : i32 to index
        %get3A_554 = arith.constant 608 : index
        %get3A_555 = tpu.vector_load %arg6[%get3A_553, %get3A_554] {strides = array<i32>} : memref<32x1024xf32, #tpu.memory_space<vmem>>, vector<1x16xf32>,
        %get3A_556 = vector.shape_cast %get3A_555 : vector<1x16xf32> to vector<16xf32>
        %add3A_557 = arith.addf %get3A_552, %get3A_556 : vector<16xf32>
        %swap3A_558 = arith.index_cast %scan3A_18 : i32 to index
        %swap3A_559 = arith.constant 608 : index
        %swap3A_560 = tpu.vector_load %arg5[%swap3A_558, %swap3A_559] {strides = array<i32>} : memref<32x1024xf32, #tpu.memory_space<vmem>>, vector<1x16xf32>,
        %swap3A_561 = vector.shape_cast %swap3A_560 : vector<1x16xf32> to vector<16xf32>
        %swap3A_562 = vector.shape_cast %add3A_557 : vector<16xf32> to vector<1x16xf32>
        tpu.vector_store %arg5[%swap3A_558, %swap3A_559], %swap3A_562 {strides = array<i32>} : memref<32x1024xf32, #tpu.memory_space<vmem>>, vector<1x16xf32>,
        %get3A_563 = arith.index_cast %scan3A_18 : i32 to index
        %get3A_564 = arith.constant 624 : index
        %get3A_565 = tpu.vector_load %arg5[%get3A_563, %get3A_564] {strides = array<i32>} : memref<32x1024xf32, #tpu.memory_space<vmem>>, vector<1x16xf32>,
        %get3A_566 = vector.shape_cast %get3A_565 : vector<1x16xf32> to vector<16xf32>
        %get3A_567 = arith.index_cast %scan3A_18 : i32 to index
        %get3A_568 = arith.constant 624 : index
        %get3A_569 = tpu.vector_load %arg6[%get3A_567, %get3A_568] {strides = array<i32>} : memref<32x1024xf32, #tpu.memory_space<vmem>>, vector<1x16xf32>,
        %get3A_570 = vector.shape_cast %get3A_569 : vector<1x16xf32> to vector<16xf32>
        %add3A_571 = arith.addf %get3A_566, %get3A_570 : vector<16xf32>
        %swap3A_572 = arith.index_cast %scan3A_18 : i32 to index
        %swap3A_573 = arith.constant 624 : index
        %swap3A_574 = tpu.vector_load %arg5[%swap3A_572, %swap3A_573] {strides = array<i32>} : memref<32x1024xf32, #tpu.memory_space<vmem>>, vector<1x16xf32>,
        %swap3A_575 = vector.shape_cast %swap3A_574 : vector<1x16xf32> to vector<16xf32>
        %swap3A_576 = vector.shape_cast %add3A_571 : vector<16xf32> to vector<1x16xf32>
        tpu.vector_store %arg5[%swap3A_572, %swap3A_573], %swap3A_576 {strides = array<i32>} : memref<32x1024xf32, #tpu.memory_space<vmem>>, vector<1x16xf32>,
        %get3A_577 = arith.index_cast %scan3A_18 : i32 to index
        %get3A_578 = arith.constant 640 : index
        %get3A_579 = tpu.vector_load %arg5[%get3A_577, %get3A_578] {strides = array<i32>} : memref<32x1024xf32, #tpu.memory_space<vmem>>, vector<1x16xf32>,
        %get3A_580 = vector.shape_cast %get3A_579 : vector<1x16xf32> to vector<16xf32>
        %get3A_581 = arith.index_cast %scan3A_18 : i32 to index
        %get3A_582 = arith.constant 640 : index
        %get3A_583 = tpu.vector_load %arg6[%get3A_581, %get3A_582] {strides = array<i32>} : memref<32x1024xf32, #tpu.memory_space<vmem>>, vector<1x16xf32>,
        %get3A_584 = vector.shape_cast %get3A_583 : vector<1x16xf32> to vector<16xf32>
        %add3A_585 = arith.addf %get3A_580, %get3A_584 : vector<16xf32>
        %swap3A_586 = arith.index_cast %scan3A_18 : i32 to index
        %swap3A_587 = arith.constant 640 : index
        %swap3A_588 = tpu.vector_load %arg5[%swap3A_586, %swap3A_587] {strides = array<i32>} : memref<32x1024xf32, #tpu.memory_space<vmem>>, vector<1x16xf32>,
        %swap3A_589 = vector.shape_cast %swap3A_588 : vector<1x16xf32> to vector<16xf32>
        %swap3A_590 = vector.shape_cast %add3A_585 : vector<16xf32> to vector<1x16xf32>
        tpu.vector_store %arg5[%swap3A_586, %swap3A_587], %swap3A_590 {strides = array<i32>} : memref<32x1024xf32, #tpu.memory_space<vmem>>, vector<1x16xf32>,
        %get3A_591 = arith.index_cast %scan3A_18 : i32 to index
        %get3A_592 = arith.constant 656 : index
        %get3A_593 = tpu.vector_load %arg5[%get3A_591, %get3A_592] {strides = array<i32>} : memref<32x1024xf32, #tpu.memory_space<vmem>>, vector<1x16xf32>,
        %get3A_594 = vector.shape_cast %get3A_593 : vector<1x16xf32> to vector<16xf32>
        %get3A_595 = arith.index_cast %scan3A_18 : i32 to index
        %get3A_596 = arith.constant 656 : index
        %get3A_597 = tpu.vector_load %arg6[%get3A_595, %get3A_596] {strides = array<i32>} : memref<32x1024xf32, #tpu.memory_space<vmem>>, vector<1x16xf32>,
        %get3A_598 = vector.shape_cast %get3A_597 : vector<1x16xf32> to vector<16xf32>
        %add3A_599 = arith.addf %get3A_594, %get3A_598 : vector<16xf32>
        %swap3A_600 = arith.index_cast %scan3A_18 : i32 to index
        %swap3A_601 = arith.constant 656 : index
        %swap3A_602 = tpu.vector_load %arg5[%swap3A_600, %swap3A_601] {strides = array<i32>} : memref<32x1024xf32, #tpu.memory_space<vmem>>, vector<1x16xf32>,
        %swap3A_603 = vector.shape_cast %swap3A_602 : vector<1x16xf32> to vector<16xf32>
        %swap3A_604 = vector.shape_cast %add3A_599 : vector<16xf32> to vector<1x16xf32>
        tpu.vector_store %arg5[%swap3A_600, %swap3A_601], %swap3A_604 {strides = array<i32>} : memref<32x1024xf32, #tpu.memory_space<vmem>>, vector<1x16xf32>,
        %get3A_605 = arith.index_cast %scan3A_18 : i32 to index
        %get3A_606 = arith.constant 672 : index
        %get3A_607 = tpu.vector_load %arg5[%get3A_605, %get3A_606] {strides = array<i32>} : memref<32x1024xf32, #tpu.memory_space<vmem>>, vector<1x16xf32>,
        %get3A_608 = vector.shape_cast %get3A_607 : vector<1x16xf32> to vector<16xf32>
        %get3A_609 = arith.index_cast %scan3A_18 : i32 to index
        %get3A_610 = arith.constant 672 : index
        %get3A_611 = tpu.vector_load %arg6[%get3A_609, %get3A_610] {strides = array<i32>} : memref<32x1024xf32, #tpu.memory_space<vmem>>, vector<1x16xf32>,
        %get3A_612 = vector.shape_cast %get3A_611 : vector<1x16xf32> to vector<16xf32>
        %add3A_613 = arith.addf %get3A_608, %get3A_612 : vector<16xf32>
        %swap3A_614 = arith.index_cast %scan3A_18 : i32 to index
        %swap3A_615 = arith.constant 672 : index
        %swap3A_616 = tpu.vector_load %arg5[%swap3A_614, %swap3A_615] {strides = array<i32>} : memref<32x1024xf32, #tpu.memory_space<vmem>>, vector<1x16xf32>,
        %swap3A_617 = vector.shape_cast %swap3A_616 : vector<1x16xf32> to vector<16xf32>
        %swap3A_618 = vector.shape_cast %add3A_613 : vector<16xf32> to vector<1x16xf32>
        tpu.vector_store %arg5[%swap3A_614, %swap3A_615], %swap3A_618 {strides = array<i32>} : memref<32x1024xf32, #tpu.memory_space<vmem>>, vector<1x16xf32>,
        %get3A_619 = arith.index_cast %scan3A_18 : i32 to index
        %get3A_620 = arith.constant 688 : index
        %get3A_621 = tpu.vector_load %arg5[%get3A_619, %get3A_620] {strides = array<i32>} : memref<32x1024xf32, #tpu.memory_space<vmem>>, vector<1x16xf32>,
        %get3A_622 = vector.shape_cast %get3A_621 : vector<1x16xf32> to vector<16xf32>
        %get3A_623 = arith.index_cast %scan3A_18 : i32 to index
        %get3A_624 = arith.constant 688 : index
        %get3A_625 = tpu.vector_load %arg6[%get3A_623, %get3A_624] {strides = array<i32>} : memref<32x1024xf32, #tpu.memory_space<vmem>>, vector<1x16xf32>,
        %get3A_626 = vector.shape_cast %get3A_625 : vector<1x16xf32> to vector<16xf32>
        %add3A_627 = arith.addf %get3A_622, %get3A_626 : vector<16xf32>
        %swap3A_628 = arith.index_cast %scan3A_18 : i32 to index
        %swap3A_629 = arith.constant 688 : index
        %swap3A_630 = tpu.vector_load %arg5[%swap3A_628, %swap3A_629] {strides = array<i32>} : memref<32x1024xf32, #tpu.memory_space<vmem>>, vector<1x16xf32>,
        %swap3A_631 = vector.shape_cast %swap3A_630 : vector<1x16xf32> to vector<16xf32>
        %swap3A_632 = vector.shape_cast %add3A_627 : vector<16xf32> to vector<1x16xf32>
        tpu.vector_store %arg5[%swap3A_628, %swap3A_629], %swap3A_632 {strides = array<i32>} : memref<32x1024xf32, #tpu.memory_space<vmem>>, vector<1x16xf32>,
        %get3A_633 = arith.index_cast %scan3A_18 : i32 to index
        %get3A_634 = arith.constant 704 : index
        %get3A_635 = tpu.vector_load %arg5[%get3A_633, %get3A_634] {strides = array<i32>} : memref<32x1024xf32, #tpu.memory_space<vmem>>, vector<1x16xf32>,
        %get3A_636 = vector.shape_cast %get3A_635 : vector<1x16xf32> to vector<16xf32>
        %get3A_637 = arith.index_cast %scan3A_18 : i32 to index
        %get3A_638 = arith.constant 704 : index
        %get3A_639 = tpu.vector_load %arg6[%get3A_637, %get3A_638] {strides = array<i32>} : memref<32x1024xf32, #tpu.memory_space<vmem>>, vector<1x16xf32>,
        %get3A_640 = vector.shape_cast %get3A_639 : vector<1x16xf32> to vector<16xf32>
        %add3A_641 = arith.addf %get3A_636, %get3A_640 : vector<16xf32>
        %swap3A_642 = arith.index_cast %scan3A_18 : i32 to index
        %swap3A_643 = arith.constant 704 : index
        %swap3A_644 = tpu.vector_load %arg5[%swap3A_642, %swap3A_643] {strides = array<i32>} : memref<32x1024xf32, #tpu.memory_space<vmem>>, vector<1x16xf32>,
        %swap3A_645 = vector.shape_cast %swap3A_644 : vector<1x16xf32> to vector<16xf32>
        %swap3A_646 = vector.shape_cast %add3A_641 : vector<16xf32> to vector<1x16xf32>
        tpu.vector_store %arg5[%swap3A_642, %swap3A_643], %swap3A_646 {strides = array<i32>} : memref<32x1024xf32, #tpu.memory_space<vmem>>, vector<1x16xf32>,
        %get3A_647 = arith.index_cast %scan3A_18 : i32 to index
        %get3A_648 = arith.constant 720 : index
        %get3A_649 = tpu.vector_load %arg5[%get3A_647, %get3A_648] {strides = array<i32>} : memref<32x1024xf32, #tpu.memory_space<vmem>>, vector<1x16xf32>,
        %get3A_650 = vector.shape_cast %get3A_649 : vector<1x16xf32> to vector<16xf32>
        %get3A_651 = arith.index_cast %scan3A_18 : i32 to index
        %get3A_652 = arith.constant 720 : index
        %get3A_653 = tpu.vector_load %arg6[%get3A_651, %get3A_652] {strides = array<i32>} : memref<32x1024xf32, #tpu.memory_space<vmem>>, vector<1x16xf32>,
        %get3A_654 = vector.shape_cast %get3A_653 : vector<1x16xf32> to vector<16xf32>
        %add3A_655 = arith.addf %get3A_650, %get3A_654 : vector<16xf32>
        %swap3A_656 = arith.index_cast %scan3A_18 : i32 to index
        %swap3A_657 = arith.constant 720 : index
        %swap3A_658 = tpu.vector_load %arg5[%swap3A_656, %swap3A_657] {strides = array<i32>} : memref<32x1024xf32, #tpu.memory_space<vmem>>, vector<1x16xf32>,
        %swap3A_659 = vector.shape_cast %swap3A_658 : vector<1x16xf32> to vector<16xf32>
        %swap3A_660 = vector.shape_cast %add3A_655 : vector<16xf32> to vector<1x16xf32>
        tpu.vector_store %arg5[%swap3A_656, %swap3A_657], %swap3A_660 {strides = array<i32>} : memref<32x1024xf32, #tpu.memory_space<vmem>>, vector<1x16xf32>,
        %get3A_661 = arith.index_cast %scan3A_18 : i32 to index
        %get3A_662 = arith.constant 736 : index
        %get3A_663 = tpu.vector_load %arg5[%get3A_661, %get3A_662] {strides = array<i32>} : memref<32x1024xf32, #tpu.memory_space<vmem>>, vector<1x16xf32>,
        %get3A_664 = vector.shape_cast %get3A_663 : vector<1x16xf32> to vector<16xf32>
        %get3A_665 = arith.index_cast %scan3A_18 : i32 to index
        %get3A_666 = arith.constant 736 : index
        %get3A_667 = tpu.vector_load %arg6[%get3A_665, %get3A_666] {strides = array<i32>} : memref<32x1024xf32, #tpu.memory_space<vmem>>, vector<1x16xf32>,
        %get3A_668 = vector.shape_cast %get3A_667 : vector<1x16xf32> to vector<16xf32>
        %add3A_669 = arith.addf %get3A_664, %get3A_668 : vector<16xf32>
        %swap3A_670 = arith.index_cast %scan3A_18 : i32 to index
        %swap3A_671 = arith.constant 736 : index
        %swap3A_672 = tpu.vector_load %arg5[%swap3A_670, %swap3A_671] {strides = array<i32>} : memref<32x1024xf32, #tpu.memory_space<vmem>>, vector<1x16xf32>,
        %swap3A_673 = vector.shape_cast %swap3A_672 : vector<1x16xf32> to vector<16xf32>
        %swap3A_674 = vector.shape_cast %add3A_669 : vector<16xf32> to vector<1x16xf32>
        tpu.vector_store %arg5[%swap3A_670, %swap3A_671], %swap3A_674 {strides = array<i32>} : memref<32x1024xf32, #tpu.memory_space<vmem>>, vector<1x16xf32>,
        %get3A_675 = arith.index_cast %scan3A_18 : i32 to index
        %get3A_676 = arith.constant 752 : index
        %get3A_677 = tpu.vector_load %arg5[%get3A_675, %get3A_676] {strides = array<i32>} : memref<32x1024xf32, #tpu.memory_space<vmem>>, vector<1x16xf32>,
        %get3A_678 = vector.shape_cast %get3A_677 : vector<1x16xf32> to vector<16xf32>
        %get3A_679 = arith.index_cast %scan3A_18 : i32 to index
        %get3A_680 = arith.constant 752 : index
        %get3A_681 = tpu.vector_load %arg6[%get3A_679, %get3A_680] {strides = array<i32>} : memref<32x1024xf32, #tpu.memory_space<vmem>>, vector<1x16xf32>,
        %get3A_682 = vector.shape_cast %get3A_681 : vector<1x16xf32> to vector<16xf32>
        %add3A_683 = arith.addf %get3A_678, %get3A_682 : vector<16xf32>
        %swap3A_684 = arith.index_cast %scan3A_18 : i32 to index
        %swap3A_685 = arith.constant 752 : index
        %swap3A_686 = tpu.vector_load %arg5[%swap3A_684, %swap3A_685] {strides = array<i32>} : memref<32x1024xf32, #tpu.memory_space<vmem>>, vector<1x16xf32>,
        %swap3A_687 = vector.shape_cast %swap3A_686 : vector<1x16xf32> to vector<16xf32>
        %swap3A_688 = vector.shape_cast %add3A_683 : vector<16xf32> to vector<1x16xf32>
        tpu.vector_store %arg5[%swap3A_684, %swap3A_685], %swap3A_688 {strides = array<i32>} : memref<32x1024xf32, #tpu.memory_space<vmem>>, vector<1x16xf32>,
        %get3A_689 = arith.index_cast %scan3A_18 : i32 to index
        %get3A_690 = arith.constant 768 : index
        %get3A_691 = tpu.vector_load %arg5[%get3A_689, %get3A_690] {strides = array<i32>} : memref<32x1024xf32, #tpu.memory_space<vmem>>, vector<1x16xf32>,
        %get3A_692 = vector.shape_cast %get3A_691 : vector<1x16xf32> to vector<16xf32>
        %get3A_693 = arith.index_cast %scan3A_18 : i32 to index
        %get3A_694 = arith.constant 768 : index
        %get3A_695 = tpu.vector_load %arg6[%get3A_693, %get3A_694] {strides = array<i32>} : memref<32x1024xf32, #tpu.memory_space<vmem>>, vector<1x16xf32>,
        %get3A_696 = vector.shape_cast %get3A_695 : vector<1x16xf32> to vector<16xf32>
        %add3A_697 = arith.addf %get3A_692, %get3A_696 : vector<16xf32>
        %swap3A_698 = arith.index_cast %scan3A_18 : i32 to index
        %swap3A_699 = arith.constant 768 : index
        %swap3A_700 = tpu.vector_load %arg5[%swap3A_698, %swap3A_699] {strides = array<i32>} : memref<32x1024xf32, #tpu.memory_space<vmem>>, vector<1x16xf32>,
        %swap3A_701 = vector.shape_cast %swap3A_700 : vector<1x16xf32> to vector<16xf32>
        %swap3A_702 = vector.shape_cast %add3A_697 : vector<16xf32> to vector<1x16xf32>
        tpu.vector_store %arg5[%swap3A_698, %swap3A_699], %swap3A_702 {strides = array<i32>} : memref<32x1024xf32, #tpu.memory_space<vmem>>, vector<1x16xf32>,
        %get3A_703 = arith.index_cast %scan3A_18 : i32 to index
        %get3A_704 = arith.constant 784 : index
        %get3A_705 = tpu.vector_load %arg5[%get3A_703, %get3A_704] {strides = array<i32>} : memref<32x1024xf32, #tpu.memory_space<vmem>>, vector<1x16xf32>,
        %get3A_706 = vector.shape_cast %get3A_705 : vector<1x16xf32> to vector<16xf32>
        %get3A_707 = arith.index_cast %scan3A_18 : i32 to index
        %get3A_708 = arith.constant 784 : index
        %get3A_709 = tpu.vector_load %arg6[%get3A_707, %get3A_708] {strides = array<i32>} : memref<32x1024xf32, #tpu.memory_space<vmem>>, vector<1x16xf32>,
        %get3A_710 = vector.shape_cast %get3A_709 : vector<1x16xf32> to vector<16xf32>
        %add3A_711 = arith.addf %get3A_706, %get3A_710 : vector<16xf32>
        %swap3A_712 = arith.index_cast %scan3A_18 : i32 to index
        %swap3A_713 = arith.constant 784 : index
        %swap3A_714 = tpu.vector_load %arg5[%swap3A_712, %swap3A_713] {strides = array<i32>} : memref<32x1024xf32, #tpu.memory_space<vmem>>, vector<1x16xf32>,
        %swap3A_715 = vector.shape_cast %swap3A_714 : vector<1x16xf32> to vector<16xf32>
        %swap3A_716 = vector.shape_cast %add3A_711 : vector<16xf32> to vector<1x16xf32>
        tpu.vector_store %arg5[%swap3A_712, %swap3A_713], %swap3A_716 {strides = array<i32>} : memref<32x1024xf32, #tpu.memory_space<vmem>>, vector<1x16xf32>,
        %get3A_717 = arith.index_cast %scan3A_18 : i32 to index
        %get3A_718 = arith.constant 800 : index
        %get3A_719 = tpu.vector_load %arg5[%get3A_717, %get3A_718] {strides = array<i32>} : memref<32x1024xf32, #tpu.memory_space<vmem>>, vector<1x16xf32>,
        %get3A_720 = vector.shape_cast %get3A_719 : vector<1x16xf32> to vector<16xf32>
        %get3A_721 = arith.index_cast %scan3A_18 : i32 to index
        %get3A_722 = arith.constant 800 : index
        %get3A_723 = tpu.vector_load %arg6[%get3A_721, %get3A_722] {strides = array<i32>} : memref<32x1024xf32, #tpu.memory_space<vmem>>, vector<1x16xf32>,
        %get3A_724 = vector.shape_cast %get3A_723 : vector<1x16xf32> to vector<16xf32>
        %add3A_725 = arith.addf %get3A_720, %get3A_724 : vector<16xf32>
        %swap3A_726 = arith.index_cast %scan3A_18 : i32 to index
        %swap3A_727 = arith.constant 800 : index
        %swap3A_728 = tpu.vector_load %arg5[%swap3A_726, %swap3A_727] {strides = array<i32>} : memref<32x1024xf32, #tpu.memory_space<vmem>>, vector<1x16xf32>,
        %swap3A_729 = vector.shape_cast %swap3A_728 : vector<1x16xf32> to vector<16xf32>
        %swap3A_730 = vector.shape_cast %add3A_725 : vector<16xf32> to vector<1x16xf32>
        tpu.vector_store %arg5[%swap3A_726, %swap3A_727], %swap3A_730 {strides = array<i32>} : memref<32x1024xf32, #tpu.memory_space<vmem>>, vector<1x16xf32>,
        %get3A_731 = arith.index_cast %scan3A_18 : i32 to index
        %get3A_732 = arith.constant 816 : index
        %get3A_733 = tpu.vector_load %arg5[%get3A_731, %get3A_732] {strides = array<i32>} : memref<32x1024xf32, #tpu.memory_space<vmem>>, vector<1x16xf32>,
        %get3A_734 = vector.shape_cast %get3A_733 : vector<1x16xf32> to vector<16xf32>
        %get3A_735 = arith.index_cast %scan3A_18 : i32 to index
        %get3A_736 = arith.constant 816 : index
        %get3A_737 = tpu.vector_load %arg6[%get3A_735, %get3A_736] {strides = array<i32>} : memref<32x1024xf32, #tpu.memory_space<vmem>>, vector<1x16xf32>,
        %get3A_738 = vector.shape_cast %get3A_737 : vector<1x16xf32> to vector<16xf32>
        %add3A_739 = arith.addf %get3A_734, %get3A_738 : vector<16xf32>
        %swap3A_740 = arith.index_cast %scan3A_18 : i32 to index
        %swap3A_741 = arith.constant 816 : index
        %swap3A_742 = tpu.vector_load %arg5[%swap3A_740, %swap3A_741] {strides = array<i32>} : memref<32x1024xf32, #tpu.memory_space<vmem>>, vector<1x16xf32>,
        %swap3A_743 = vector.shape_cast %swap3A_742 : vector<1x16xf32> to vector<16xf32>
        %swap3A_744 = vector.shape_cast %add3A_739 : vector<16xf32> to vector<1x16xf32>
        tpu.vector_store %arg5[%swap3A_740, %swap3A_741], %swap3A_744 {strides = array<i32>} : memref<32x1024xf32, #tpu.memory_space<vmem>>, vector<1x16xf32>,
        %get3A_745 = arith.index_cast %scan3A_18 : i32 to index
        %get3A_746 = arith.constant 832 : index
        %get3A_747 = tpu.vector_load %arg5[%get3A_745, %get3A_746] {strides = array<i32>} : memref<32x1024xf32, #tpu.memory_space<vmem>>, vector<1x16xf32>,
        %get3A_748 = vector.shape_cast %get3A_747 : vector<1x16xf32> to vector<16xf32>
        %get3A_749 = arith.index_cast %scan3A_18 : i32 to index
        %get3A_750 = arith.constant 832 : index
        %get3A_751 = tpu.vector_load %arg6[%get3A_749, %get3A_750] {strides = array<i32>} : memref<32x1024xf32, #tpu.memory_space<vmem>>, vector<1x16xf32>,
        %get3A_752 = vector.shape_cast %get3A_751 : vector<1x16xf32> to vector<16xf32>
        %add3A_753 = arith.addf %get3A_748, %get3A_752 : vector<16xf32>
        %swap3A_754 = arith.index_cast %scan3A_18 : i32 to index
        %swap3A_755 = arith.constant 832 : index
        %swap3A_756 = tpu.vector_load %arg5[%swap3A_754, %swap3A_755] {strides = array<i32>} : memref<32x1024xf32, #tpu.memory_space<vmem>>, vector<1x16xf32>,
        %swap3A_757 = vector.shape_cast %swap3A_756 : vector<1x16xf32> to vector<16xf32>
        %swap3A_758 = vector.shape_cast %add3A_753 : vector<16xf32> to vector<1x16xf32>
        tpu.vector_store %arg5[%swap3A_754, %swap3A_755], %swap3A_758 {strides = array<i32>} : memref<32x1024xf32, #tpu.memory_space<vmem>>, vector<1x16xf32>,
        %get3A_759 = arith.index_cast %scan3A_18 : i32 to index
        %get3A_760 = arith.constant 848 : index
        %get3A_761 = tpu.vector_load %arg5[%get3A_759, %get3A_760] {strides = array<i32>} : memref<32x1024xf32, #tpu.memory_space<vmem>>, vector<1x16xf32>,
        %get3A_762 = vector.shape_cast %get3A_761 : vector<1x16xf32> to vector<16xf32>
        %get3A_763 = arith.index_cast %scan3A_18 : i32 to index
        %get3A_764 = arith.constant 848 : index
        %get3A_765 = tpu.vector_load %arg6[%get3A_763, %get3A_764] {strides = array<i32>} : memref<32x1024xf32, #tpu.memory_space<vmem>>, vector<1x16xf32>,
        %get3A_766 = vector.shape_cast %get3A_765 : vector<1x16xf32> to vector<16xf32>
        %add3A_767 = arith.addf %get3A_762, %get3A_766 : vector<16xf32>
        %swap3A_768 = arith.index_cast %scan3A_18 : i32 to index
        %swap3A_769 = arith.constant 848 : index
        %swap3A_770 = tpu.vector_load %arg5[%swap3A_768, %swap3A_769] {strides = array<i32>} : memref<32x1024xf32, #tpu.memory_space<vmem>>, vector<1x16xf32>,
        %swap3A_771 = vector.shape_cast %swap3A_770 : vector<1x16xf32> to vector<16xf32>
        %swap3A_772 = vector.shape_cast %add3A_767 : vector<16xf32> to vector<1x16xf32>
        tpu.vector_store %arg5[%swap3A_768, %swap3A_769], %swap3A_772 {strides = array<i32>} : memref<32x1024xf32, #tpu.memory_space<vmem>>, vector<1x16xf32>,
        %get3A_773 = arith.index_cast %scan3A_18 : i32 to index
        %get3A_774 = arith.constant 864 : index
        %get3A_775 = tpu.vector_load %arg5[%get3A_773, %get3A_774] {strides = array<i32>} : memref<32x1024xf32, #tpu.memory_space<vmem>>, vector<1x16xf32>,
        %get3A_776 = vector.shape_cast %get3A_775 : vector<1x16xf32> to vector<16xf32>
        %get3A_777 = arith.index_cast %scan3A_18 : i32 to index
        %get3A_778 = arith.constant 864 : index
        %get3A_779 = tpu.vector_load %arg6[%get3A_777, %get3A_778] {strides = array<i32>} : memref<32x1024xf32, #tpu.memory_space<vmem>>, vector<1x16xf32>,
        %get3A_780 = vector.shape_cast %get3A_779 : vector<1x16xf32> to vector<16xf32>
        %add3A_781 = arith.addf %get3A_776, %get3A_780 : vector<16xf32>
        %swap3A_782 = arith.index_cast %scan3A_18 : i32 to index
        %swap3A_783 = arith.constant 864 : index
        %swap3A_784 = tpu.vector_load %arg5[%swap3A_782, %swap3A_783] {strides = array<i32>} : memref<32x1024xf32, #tpu.memory_space<vmem>>, vector<1x16xf32>,
        %swap3A_785 = vector.shape_cast %swap3A_784 : vector<1x16xf32> to vector<16xf32>
        %swap3A_786 = vector.shape_cast %add3A_781 : vector<16xf32> to vector<1x16xf32>
        tpu.vector_store %arg5[%swap3A_782, %swap3A_783], %swap3A_786 {strides = array<i32>} : memref<32x1024xf32, #tpu.memory_space<vmem>>, vector<1x16xf32>,
        %get3A_787 = arith.index_cast %scan3A_18 : i32 to index
        %get3A_788 = arith.constant 880 : index
        %get3A_789 = tpu.vector_load %arg5[%get3A_787, %get3A_788] {strides = array<i32>} : memref<32x1024xf32, #tpu.memory_space<vmem>>, vector<1x16xf32>,
        %get3A_790 = vector.shape_cast %get3A_789 : vector<1x16xf32> to vector<16xf32>
        %get3A_791 = arith.index_cast %scan3A_18 : i32 to index
        %get3A_792 = arith.constant 880 : index
        %get3A_793 = tpu.vector_load %arg6[%get3A_791, %get3A_792] {strides = array<i32>} : memref<32x1024xf32, #tpu.memory_space<vmem>>, vector<1x16xf32>,
        %get3A_794 = vector.shape_cast %get3A_793 : vector<1x16xf32> to vector<16xf32>
        %add3A_795 = arith.addf %get3A_790, %get3A_794 : vector<16xf32>
        %swap3A_796 = arith.index_cast %scan3A_18 : i32 to index
        %swap3A_797 = arith.constant 880 : index
        %swap3A_798 = tpu.vector_load %arg5[%swap3A_796, %swap3A_797] {strides = array<i32>} : memref<32x1024xf32, #tpu.memory_space<vmem>>, vector<1x16xf32>,
        %swap3A_799 = vector.shape_cast %swap3A_798 : vector<1x16xf32> to vector<16xf32>
        %swap3A_800 = vector.shape_cast %add3A_795 : vector<16xf32> to vector<1x16xf32>
        tpu.vector_store %arg5[%swap3A_796, %swap3A_797], %swap3A_800 {strides = array<i32>} : memref<32x1024xf32, #tpu.memory_space<vmem>>, vector<1x16xf32>,
        %get3A_801 = arith.index_cast %scan3A_18 : i32 to index
        %get3A_802 = arith.constant 896 : index
        %get3A_803 = tpu.vector_load %arg5[%get3A_801, %get3A_802] {strides = array<i32>} : memref<32x1024xf32, #tpu.memory_space<vmem>>, vector<1x16xf32>,
        %get3A_804 = vector.shape_cast %get3A_803 : vector<1x16xf32> to vector<16xf32>
        %get3A_805 = arith.index_cast %scan3A_18 : i32 to index
        %get3A_806 = arith.constant 896 : index
        %get3A_807 = tpu.vector_load %arg6[%get3A_805, %get3A_806] {strides = array<i32>} : memref<32x1024xf32, #tpu.memory_space<vmem>>, vector<1x16xf32>,
        %get3A_808 = vector.shape_cast %get3A_807 : vector<1x16xf32> to vector<16xf32>
        %add3A_809 = arith.addf %get3A_804, %get3A_808 : vector<16xf32>
        %swap3A_810 = arith.index_cast %scan3A_18 : i32 to index
        %swap3A_811 = arith.constant 896 : index
        %swap3A_812 = tpu.vector_load %arg5[%swap3A_810, %swap3A_811] {strides = array<i32>} : memref<32x1024xf32, #tpu.memory_space<vmem>>, vector<1x16xf32>,
        %swap3A_813 = vector.shape_cast %swap3A_812 : vector<1x16xf32> to vector<16xf32>
        %swap3A_814 = vector.shape_cast %add3A_809 : vector<16xf32> to vector<1x16xf32>
        tpu.vector_store %arg5[%swap3A_810, %swap3A_811], %swap3A_814 {strides = array<i32>} : memref<32x1024xf32, #tpu.memory_space<vmem>>, vector<1x16xf32>,
        %get3A_815 = arith.index_cast %scan3A_18 : i32 to index
        %get3A_816 = arith.constant 912 : index
        %get3A_817 = tpu.vector_load %arg5[%get3A_815, %get3A_816] {strides = array<i32>} : memref<32x1024xf32, #tpu.memory_space<vmem>>, vector<1x16xf32>,
        %get3A_818 = vector.shape_cast %get3A_817 : vector<1x16xf32> to vector<16xf32>
        %get3A_819 = arith.index_cast %scan3A_18 : i32 to index
        %get3A_820 = arith.constant 912 : index
        %get3A_821 = tpu.vector_load %arg6[%get3A_819, %get3A_820] {strides = array<i32>} : memref<32x1024xf32, #tpu.memory_space<vmem>>, vector<1x16xf32>,
        %get3A_822 = vector.shape_cast %get3A_821 : vector<1x16xf32> to vector<16xf32>
        %add3A_823 = arith.addf %get3A_818, %get3A_822 : vector<16xf32>
        %swap3A_824 = arith.index_cast %scan3A_18 : i32 to index
        %swap3A_825 = arith.constant 912 : index
        %swap3A_826 = tpu.vector_load %arg5[%swap3A_824, %swap3A_825] {strides = array<i32>} : memref<32x1024xf32, #tpu.memory_space<vmem>>, vector<1x16xf32>,
        %swap3A_827 = vector.shape_cast %swap3A_826 : vector<1x16xf32> to vector<16xf32>
        %swap3A_828 = vector.shape_cast %add3A_823 : vector<16xf32> to vector<1x16xf32>
        tpu.vector_store %arg5[%swap3A_824, %swap3A_825], %swap3A_828 {strides = array<i32>} : memref<32x1024xf32, #tpu.memory_space<vmem>>, vector<1x16xf32>,
        %get3A_829 = arith.index_cast %scan3A_18 : i32 to index
        %get3A_830 = arith.constant 928 : index
        %get3A_831 = tpu.vector_load %arg5[%get3A_829, %get3A_830] {strides = array<i32>} : memref<32x1024xf32, #tpu.memory_space<vmem>>, vector<1x16xf32>,
        %get3A_832 = vector.shape_cast %get3A_831 : vector<1x16xf32> to vector<16xf32>
        %get3A_833 = arith.index_cast %scan3A_18 : i32 to index
        %get3A_834 = arith.constant 928 : index
        %get3A_835 = tpu.vector_load %arg6[%get3A_833, %get3A_834] {strides = array<i32>} : memref<32x1024xf32, #tpu.memory_space<vmem>>, vector<1x16xf32>,
        %get3A_836 = vector.shape_cast %get3A_835 : vector<1x16xf32> to vector<16xf32>
        %add3A_837 = arith.addf %get3A_832, %get3A_836 : vector<16xf32>
        %swap3A_838 = arith.index_cast %scan3A_18 : i32 to index
        %swap3A_839 = arith.constant 928 : index
        %swap3A_840 = tpu.vector_load %arg5[%swap3A_838, %swap3A_839] {strides = array<i32>} : memref<32x1024xf32, #tpu.memory_space<vmem>>, vector<1x16xf32>,
        %swap3A_841 = vector.shape_cast %swap3A_840 : vector<1x16xf32> to vector<16xf32>
        %swap3A_842 = vector.shape_cast %add3A_837 : vector<16xf32> to vector<1x16xf32>
        tpu.vector_store %arg5[%swap3A_838, %swap3A_839], %swap3A_842 {strides = array<i32>} : memref<32x1024xf32, #tpu.memory_space<vmem>>, vector<1x16xf32>,
        %get3A_843 = arith.index_cast %scan3A_18 : i32 to index
        %get3A_844 = arith.constant 944 : index
        %get3A_845 = tpu.vector_load %arg5[%get3A_843, %get3A_844] {strides = array<i32>} : memref<32x1024xf32, #tpu.memory_space<vmem>>, vector<1x16xf32>,
        %get3A_846 = vector.shape_cast %get3A_845 : vector<1x16xf32> to vector<16xf32>
        %get3A_847 = arith.index_cast %scan3A_18 : i32 to index
        %get3A_848 = arith.constant 944 : index
        %get3A_849 = tpu.vector_load %arg6[%get3A_847, %get3A_848] {strides = array<i32>} : memref<32x1024xf32, #tpu.memory_space<vmem>>, vector<1x16xf32>,
        %get3A_850 = vector.shape_cast %get3A_849 : vector<1x16xf32> to vector<16xf32>
        %add3A_851 = arith.addf %get3A_846, %get3A_850 : vector<16xf32>
        %swap3A_852 = arith.index_cast %scan3A_18 : i32 to index
        %swap3A_853 = arith.constant 944 : index
        %swap3A_854 = tpu.vector_load %arg5[%swap3A_852, %swap3A_853] {strides = array<i32>} : memref<32x1024xf32, #tpu.memory_space<vmem>>, vector<1x16xf32>,
        %swap3A_855 = vector.shape_cast %swap3A_854 : vector<1x16xf32> to vector<16xf32>
        %swap3A_856 = vector.shape_cast %add3A_851 : vector<16xf32> to vector<1x16xf32>
        tpu.vector_store %arg5[%swap3A_852, %swap3A_853], %swap3A_856 {strides = array<i32>} : memref<32x1024xf32, #tpu.memory_space<vmem>>, vector<1x16xf32>,
        %get3A_857 = arith.index_cast %scan3A_18 : i32 to index
        %get3A_858 = arith.constant 960 : index
        %get3A_859 = tpu.vector_load %arg5[%get3A_857, %get3A_858] {strides = array<i32>} : memref<32x1024xf32, #tpu.memory_space<vmem>>, vector<1x16xf32>,
        %get3A_860 = vector.shape_cast %get3A_859 : vector<1x16xf32> to vector<16xf32>
        %get3A_861 = arith.index_cast %scan3A_18 : i32 to index
        %get3A_862 = arith.constant 960 : index
        %get3A_863 = tpu.vector_load %arg6[%get3A_861, %get3A_862] {strides = array<i32>} : memref<32x1024xf32, #tpu.memory_space<vmem>>, vector<1x16xf32>,
        %get3A_864 = vector.shape_cast %get3A_863 : vector<1x16xf32> to vector<16xf32>
        %add3A_865 = arith.addf %get3A_860, %get3A_864 : vector<16xf32>
        %swap3A_866 = arith.index_cast %scan3A_18 : i32 to index
        %swap3A_867 = arith.constant 960 : index
        %swap3A_868 = tpu.vector_load %arg5[%swap3A_866, %swap3A_867] {strides = array<i32>} : memref<32x1024xf32, #tpu.memory_space<vmem>>, vector<1x16xf32>,
        %swap3A_869 = vector.shape_cast %swap3A_868 : vector<1x16xf32> to vector<16xf32>
        %swap3A_870 = vector.shape_cast %add3A_865 : vector<16xf32> to vector<1x16xf32>
        tpu.vector_store %arg5[%swap3A_866, %swap3A_867], %swap3A_870 {strides = array<i32>} : memref<32x1024xf32, #tpu.memory_space<vmem>>, vector<1x16xf32>,
        %get3A_871 = arith.index_cast %scan3A_18 : i32 to index
        %get3A_872 = arith.constant 976 : index
        %get3A_873 = tpu.vector_load %arg5[%get3A_871, %get3A_872] {strides = array<i32>} : memref<32x1024xf32, #tpu.memory_space<vmem>>, vector<1x16xf32>,
        %get3A_874 = vector.shape_cast %get3A_873 : vector<1x16xf32> to vector<16xf32>
        %get3A_875 = arith.index_cast %scan3A_18 : i32 to index
        %get3A_876 = arith.constant 976 : index
        %get3A_877 = tpu.vector_load %arg6[%get3A_875, %get3A_876] {strides = array<i32>} : memref<32x1024xf32, #tpu.memory_space<vmem>>, vector<1x16xf32>,
        %get3A_878 = vector.shape_cast %get3A_877 : vector<1x16xf32> to vector<16xf32>
        %add3A_879 = arith.addf %get3A_874, %get3A_878 : vector<16xf32>
        %swap3A_880 = arith.index_cast %scan3A_18 : i32 to index
        %swap3A_881 = arith.constant 976 : index
        %swap3A_882 = tpu.vector_load %arg5[%swap3A_880, %swap3A_881] {strides = array<i32>} : memref<32x1024xf32, #tpu.memory_space<vmem>>, vector<1x16xf32>,
        %swap3A_883 = vector.shape_cast %swap3A_882 : vector<1x16xf32> to vector<16xf32>
        %swap3A_884 = vector.shape_cast %add3A_879 : vector<16xf32> to vector<1x16xf32>
        tpu.vector_store %arg5[%swap3A_880, %swap3A_881], %swap3A_884 {strides = array<i32>} : memref<32x1024xf32, #tpu.memory_space<vmem>>, vector<1x16xf32>,
        %get3A_885 = arith.index_cast %scan3A_18 : i32 to index
        %get3A_886 = arith.constant 992 : index
        %get3A_887 = tpu.vector_load %arg5[%get3A_885, %get3A_886] {strides = array<i32>} : memref<32x1024xf32, #tpu.memory_space<vmem>>, vector<1x16xf32>,
        %get3A_888 = vector.shape_cast %get3A_887 : vector<1x16xf32> to vector<16xf32>
        %get3A_889 = arith.index_cast %scan3A_18 : i32 to index
        %get3A_890 = arith.constant 992 : index
        %get3A_891 = tpu.vector_load %arg6[%get3A_889, %get3A_890] {strides = array<i32>} : memref<32x1024xf32, #tpu.memory_space<vmem>>, vector<1x16xf32>,
        %get3A_892 = vector.shape_cast %get3A_891 : vector<1x16xf32> to vector<16xf32>
        %add3A_893 = arith.addf %get3A_888, %get3A_892 : vector<16xf32>
        %swap3A_894 = arith.index_cast %scan3A_18 : i32 to index
        %swap3A_895 = arith.constant 992 : index
        %swap3A_896 = tpu.vector_load %arg5[%swap3A_894, %swap3A_895] {strides = array<i32>} : memref<32x1024xf32, #tpu.memory_space<vmem>>, vector<1x16xf32>,
        %swap3A_897 = vector.shape_cast %swap3A_896 : vector<1x16xf32> to vector<16xf32>
        %swap3A_898 = vector.shape_cast %add3A_893 : vector<16xf32> to vector<1x16xf32>
        tpu.vector_store %arg5[%swap3A_894, %swap3A_895], %swap3A_898 {strides = array<i32>} : memref<32x1024xf32, #tpu.memory_space<vmem>>, vector<1x16xf32>,
        %get3A_899 = arith.index_cast %scan3A_18 : i32 to index
        %get3A_900 = arith.constant 1008 : index
        %get3A_901 = tpu.vector_load %arg5[%get3A_899, %get3A_900] {strides = array<i32>} : memref<32x1024xf32, #tpu.memory_space<vmem>>, vector<1x16xf32>,
        %get3A_902 = vector.shape_cast %get3A_901 : vector<1x16xf32> to vector<16xf32>
        %get3A_903 = arith.index_cast %scan3A_18 : i32 to index
        %get3A_904 = arith.constant 1008 : index
        %get3A_905 = tpu.vector_load %arg6[%get3A_903, %get3A_904] {strides = array<i32>} : memref<32x1024xf32, #tpu.memory_space<vmem>>, vector<1x16xf32>,
        %get3A_906 = vector.shape_cast %get3A_905 : vector<1x16xf32> to vector<16xf32>
        %add3A_907 = arith.addf %get3A_902, %get3A_906 : vector<16xf32>
        %swap3A_908 = arith.index_cast %scan3A_18 : i32 to index
        %swap3A_909 = arith.constant 1008 : index
        %swap3A_910 = tpu.vector_load %arg5[%swap3A_908, %swap3A_909] {strides = array<i32>} : memref<32x1024xf32, #tpu.memory_space<vmem>>, vector<1x16xf32>,
        %swap3A_911 = vector.shape_cast %swap3A_910 : vector<1x16xf32> to vector<16xf32>
        %swap3A_912 = vector.shape_cast %add3A_907 : vector<16xf32> to vector<1x16xf32>
        tpu.vector_store %arg5[%swap3A_908, %swap3A_909], %swap3A_912 {strides = array<i32>} : memref<32x1024xf32, #tpu.memory_space<vmem>>, vector<1x16xf32>,
      }
      %scan3A_17 = arith.constant 32 : i32
      "tpu.region"() ({
        %run_scoped3A = tpu.sem_alloc : memref<!tpu.dma_semaphore, #tpu.memory_space<semaphore_mem>>
        %dma_start3A = arith.constant 0 : i32
        %dma_start3A_18 = tpu.memref_slice %arg4[%add3A_11, %dma_start3A] : memref<4096x1024xf32, #tpu.memory_space<hbm>> -> memref<32x1024xf32, #tpu.memory_space<hbm>>
        %dma_start3A_19 = arith.constant 0 : i32
        %dma_start3A_20 = tpu.memref_slice %arg4[%add3A_11, %dma_start3A_19] : memref<4096x1024xf32, #tpu.memory_space<hbm>> -> memref<32x1024xf32, #tpu.memory_space<hbm>>
        tpu.enqueue_dma source(%arg5 : memref<32x1024xf32, #tpu.memory_space<vmem>>) target(%dma_start3A_20 : memref<32x1024xf32, #tpu.memory_space<hbm>>) target_semaphore(%run_scoped3A : memref<!tpu.dma_semaphore, #tpu.memory_space<semaphore_mem>>)
        %dma_wait3A = arith.constant 0 : i32
        %dma_wait3A_21 = tpu.memref_slice %arg4[%add3A_11, %dma_wait3A] : memref<4096x1024xf32, #tpu.memory_space<hbm>> -> memref<32x1024xf32, #tpu.memory_space<hbm>>
        %dma_wait3A_22 = arith.constant 0 : i32
        %dma_wait3A_23 = tpu.memref_slice %arg4[%add3A_11, %dma_wait3A_22] : memref<4096x1024xf32, #tpu.memory_space<hbm>> -> memref<32x1024xf32, #tpu.memory_space<hbm>>
        tpu.wait_dma2 semaphore(%run_scoped3A : memref<!tpu.dma_semaphore, #tpu.memory_space<semaphore_mem>>) src(%arg5 : memref<32x1024xf32, #tpu.memory_space<vmem>>) dst(%dma_wait3A_23 : memref<32x1024xf32, #tpu.memory_space<hbm>>)
        tpu.yield
      }) : () -> ()
    }
    %scan3A_7 = arith.constant 4 : i32
    return
  }
}

module attributes {stable_mosaic.version = 14 : i64} {
  func.func @_tc_add_kernel(%arg0: i32, %arg1: i32, %arg2: memref<1x2048x1024xf32, #tpu.memory_space<vmem>>, %arg3: memref<2048x1024xf32, #tpu.memory_space<vmem>>, %arg4: memref<1x2048x1024xf32, #tpu.memory_space<vmem>>) attributes {dimension_semantics = [#tpu.dimension_semantics<arbitrary>, #tpu.dimension_semantics<arbitrary>], iteration_bounds = array<i64: 2, 3>, scalar_prefetch = 0 : i64, scratch_operands = 0 : i64, tpu.core_type = #tpu.core_type<tc>, window_params = [{transform_indices = @transform_0, window_bounds = array<i64: 1, 2048, 1024>}, {transform_indices = @transform_1, window_bounds = array<i64: 2048, 1024>}, {transform_indices = @transform_2, window_bounds = array<i64: 1, 2048, 1024>}]} {
    %get3A = arith.constant 0 : index
    %get3A_0 = arith.constant 0 : index
    %get3A_1 = arith.constant 0 : index
    %get3A_2 = vector.load %arg2[%get3A, %get3A_0, %get3A_1] : memref<1x2048x1024xf32, #tpu.memory_space<vmem>>, vector<1x2048x1024xf32>
    %get3A_3 = arith.constant 0 : index
    %get3A_4 = arith.constant 0 : index
    %get3A_5 = vector.load %arg3[%get3A_3, %get3A_4] : memref<2048x1024xf32, #tpu.memory_space<vmem>>, vector<2048x1024xf32>
    %broadcast_in_dim3A = vector.shape_cast %get3A_5 : vector<2048x1024xf32> to vector<1x2048x1024xf32>
    %add3A = arith.addf %get3A_2, %broadcast_in_dim3A : vector<1x2048x1024xf32>
    %swap3A = arith.constant 0 : index
    %swap3A_6 = arith.constant 0 : index
    %swap3A_7 = arith.constant 0 : index
    %swap3A_8 = vector.load %arg4[%swap3A, %swap3A_6, %swap3A_7] : memref<1x2048x1024xf32, #tpu.memory_space<vmem>>, vector<1x2048x1024xf32>
    tpu.vector_store %arg4[%swap3A, %swap3A_6, %swap3A_7], %add3A {strides = array<i32>} : memref<1x2048x1024xf32, #tpu.memory_space<vmem>>, vector<1x2048x1024xf32>,
    return
  }
  func.func @transform_0(%arg0: i32, %arg1: i32) -> (i32, i32, i32) {
    %c0_i32 = arith.constant 0 : i32
    %c0_i32_0 = arith.constant 0 : i32
    return %arg1, %arg0, %c0_i32 : i32, i32, i32
  }
  func.func @transform_1(%arg0: i32, %arg1: i32) -> (i32, i32) {
    %c0_i32 = arith.constant 0 : i32
    %c0_i32_0 = arith.constant 0 : i32
    return %arg0, %c0_i32 : i32, i32
  }
  func.func @transform_2(%arg0: i32, %arg1: i32) -> (i32, i32, i32) {
    %c0_i32 = arith.constant 0 : i32
    %c0_i32_0 = arith.constant 0 : i32
    return %arg1, %arg0, %c0_i32 : i32, i32, i32
  }
}

</mosaic_0001>

<sc_bundles>
// kernel: kernel.4.cloned.1.call-start
scs
__scs_entry_jumppad:
0x0: {  	(pc) =	sbr.rel $0x88, $3  }
0x1: {  	(tag) =	ssettag $0x0;
	lr =	simm.s32 $0x1  }
0x2: {  	[smem:$0x3F9F] =	sst lr;
	_ =	strace $0xD0000000  }
0x3: {  	_ = 	snop  }
0x4: {  	_ = 	snop  }
0x5: {  	_ = 	snop  }
0x6: {  	_ = 	snop  }
0x7: {  	_ = 	snop  }
__scs_overlays_trampoline_lowered:
0x8: {  	[smem:$0x3FAE] =	sst s0  }
0x9: {  	[smem:$0x3FAF] =	sst s1  }
0xa: {  	[smem:$0x3FB0] =	sst s2  }
0xb: {  	[smem:$0x3FB1] =	sst s3  }
0xc: {  	[smem:$0x3FB2] =	sst s4  }
0xd: {  	[smem:$0x3FB3] =	sst s5  }
0xe: {  	[smem:$0x3FB4] =	sst s6  }
0xf: {  	[smem:$0x3FB5] =	sst s7  }
0x10: {  	[smem:$0x3FB6] =	sst s8  }
0x11: {  	[smem:$0x3FB7] =	sst s9;
	s0 =	simm.s32 @!p0 $0x0  }
0x12: {  	s1 =	sld [smem:$0x3F9D];
	s0 =	simm.s32 @p0 $0x1  }
0x13: {  	[smem:$0x3FB8] =	sst s0;
	s0 =	simm.s32 @!p1 $0x0  }
0x14: {  	s2 =	sld [smem:$0x3F9C];
	s0 =	simm.s32 @p1 $0x1  }
0x15: {  	[smem:$0x3FB9] =	sst s0;
	s0 =	simm.s32 @!p2 $0x0  }
0x16: {  	s3 =	sld [smem:$0x3FDB];
	s0 =	simm.s32 @p2 $0x1  }
0x17: {  	s4 =	simm.s32 $0x1BF5;
	[smem:$0x3FBB] =	sst s0  }
0x18: {  	s0 =	sld [smem:$0x3F9E];
	_ =	swait.ge [sflag:s4], $0x0  }
0x19: {  	s7 =	sld [smem:$0x3F9F]  }
0x1a: {  	s8 =	sadd.s32 $0xFFFFE003, lr  }
0x1b: {  	s9 =	sadd.s32 $0xFFFFFEF7, lr;
	s5 =	simm.s32 $0xFFFFFFFF;
	p2 =	slt.u32 s8, $0xFFFFF086  }
0x1c: {  	p1 =	slt.u32 s9, $0xF7A;
	s5 =	simm.s32 @!p2 $0x0  }
0x1d: {  	s5 =	simm.s32 @p1 $0x1;
	p0 =	seq.s32 s7, s2  }
0x1e: {  	s7 =	smul.u32 @!p0 $0xF7A, s2;
	p2 =	seq.s32 @!p0 s5, $0x0  }
0x1f: {  	s9 =	smul.u32 $0xF7A, s1;
	s8 =	simm.s32 @!p0 $0x1BF5;
	p2 =	por !p2, p0  }
0x20: {  	[sflag:s8] =	ssyncset.s32 @!p0 $0xFFFFF086;
	s6 =	sadd.s32 @!p0 s3, s7;
	s7 =	simm.s32 @!p0 $0x108  }
0x21: {  	s3 =	sadd.s32 s3, s9;
	s6 =	sadd.s32 @!p0 $0x88, s6;
	s7 =	simm.s32 @p2 $0x1082  }
0x22: {  	[simem:s7], [sflag:s8] =	dma.local @!p0 [hbm:s6], $0xF7A  }
0x23: {  	s9 =	sor.u32 $0xD0000000, s2;
	s6 =	simm.s32 $0x108;
	_ =	swait.ge @!p0 [sflag:s8], $0x0  }
0x24: {  	s3 =	sadd.s32 $0x88, s3;
	s6 =	simm.s32 @!p1 $0x1082;
	[sflag:s4] =	ssyncset.s32 $0xFFFFF086  }
0x25: {  	[simem:s6], [sflag:s4] =	dma.local [hbm:s3], $0xF7A  }
0x26: {  	[smem:$0x3F9F] =	sst s1;
	(tag) =	ssettag s2;
	_ =	strace s9  }
0x27: {  	s1 =	sld [smem:$0x3FAF]  }
0x28: {  	s2 =	sld [smem:$0x3FB0]  }
0x29: {  	s4 =	sld [smem:$0x3FB2]  }
0x2a: {  	p0 =	seq.s32 s5, $0x0;
	s5 =	sld [smem:$0x3FB3]  }
0x2b: {  	s6 =	sld [smem:$0x3FB4]  }
0x2c: {  	s7 =	sld [smem:$0x3FB5]  }
0x2d: {  	s3 =	simm.s32 $0x108;
	s8 =	sld [smem:$0x3FB6]  }
0x2e: {  	s3 =	simm.s32 @!p0 $0x1082;
	s9 =	sld [smem:$0x3FB7]  }
0x2f: {  	lr =	sadd.s32 s0, s3;
	s0 =	sld [smem:$0x3FAE]  }
0x30: {  	s3 =	sld [smem:$0x3FB1]  }
0x31: {  	[smem:$0x3FBA] =	sst s10  }
0x32: {  	s10 =	sld [smem:$0x3FB8];
	_ =	sdelay $0x3  }
0x33: {  	p0 =	seq.s32 s10, $0x1;
	s10 =	sld [smem:$0x3FBA];
	_ =	sdelay $0x3  }
0x34: {  	[smem:$0x3FBA] =	sst s10  }
0x35: {  	s10 =	sld [smem:$0x3FB9];
	_ =	sdelay $0x3  }
0x36: {  	p1 =	seq.s32 s10, $0x1;
	s10 =	sld [smem:$0x3FBA];
	_ =	sdelay $0x3  }
0x37: {  	[smem:$0x3FBA] =	sst s10  }
0x38: {  	s10 =	sld [smem:$0x3FBB]  }
0x39: {  	_ = 	snop;
	(pc) =	sbr.ind lr, $3  }
0x3a: {  	_ = 	snop  }
0x3b: {  	_ = 	snop  }
0x3c: {  	p2 =	seq.s32 s10, $0x1;
	s10 =	sld [smem:$0x3FBA]  }
0x3d: {  	_ =	shalt  }
0x3e: {  	_ =	shalt  }
0x3f: {  	_ =	shalt  }
0x40: {  	_ =	shalt  }
0x41: {  	_ =	shalt  }
0x42: {  	_ =	shalt  }
0x43: {  	_ =	shalt  }
0x44: {  	_ =	shalt  }
0x45: {  	_ =	shalt  }
0x46: {  	_ =	shalt  }
0x47: {  	_ =	shalt  }
0x48: {  	_ =	shalt  }
0x49: {  	_ =	shalt  }
0x4a: {  	_ =	shalt  }
0x4b: {  	_ =	shalt  }
0x4c: {  	_ =	shalt  }
0x4d: {  	_ =	shalt  }
0x4e: {  	_ =	shalt  }
0x4f: {  	_ =	shalt  }
0x50: {  	_ =	shalt  }
0x51: {  	_ =	shalt  }
0x52: {  	_ =	shalt  }
0x53: {  	_ =	shalt  }
0x54: {  	_ =	shalt  }
0x55: {  	_ =	shalt  }
0x56: {  	_ =	shalt  }
0x57: {  	_ =	shalt  }
0x58: {  	_ =	shalt  }
0x59: {  	_ =	shalt  }
0x5a: {  	_ =	shalt  }
0x5b: {  	_ =	shalt  }
0x5c: {  	_ =	shalt  }
0x5d: {  	_ =	shalt  }
0x5e: {  	_ =	shalt  }
0x5f: {  	_ =	shalt  }
0x60: {  	_ =	shalt  }
0x61: {  	_ =	shalt  }
0x62: {  	_ =	shalt  }
0x63: {  	_ =	shalt  }
0x64: {  	_ =	shalt  }
0x65: {  	_ =	shalt  }
0x66: {  	_ =	shalt  }
0x67: {  	_ =	shalt  }
0x68: {  	_ =	shalt  }
0x69: {  	_ =	shalt  }
0x6a: {  	_ =	shalt  }
0x6b: {  	_ =	shalt  }
0x6c: {  	_ =	shalt  }
0x6d: {  	_ =	shalt  }
0x6e: {  	_ =	shalt  }
0x6f: {  	_ =	shalt  }
0x70: {  	_ =	shalt  }
0x71: {  	_ =	shalt  }
0x72: {  	_ =	shalt  }
0x73: {  	_ =	shalt  }
0x74: {  	_ =	shalt  }
0x75: {  	_ =	shalt  }
0x76: {  	_ =	shalt  }
0x77: {  	_ =	shalt  }
0x78: {  	_ =	shalt  }
0x79: {  	_ =	shalt  }
0x7a: {  	_ =	shalt  }
0x7b: {  	_ =	shalt  }
0x7c: {  	_ =	shalt  }
0x7d: {  	_ =	shalt  }
0x7e: {  	_ =	shalt  }
0x7f: {  	_ =	shalt  }
0x80: {  	_ =	shalt  }
0x81: {  	_ =	shalt  }
0x82: {  	_ =	shalt  }
0x83: {  	_ =	shalt  }
0x84: {  	_ =	shalt  }
0x85: {  	_ =	shalt  }
0x86: {  	_ =	shalt  }
0x87: {  	_ =	shalt  }
.Lfunc_end0:
.L_simem_size_0:
called_computation_lowered:
.L_overlay_start_0:
0x88: {  	s2 =	sld [smem:$0x3FD9]  }
0x89: {  	s3 =	sld [smem:$0x3FFE];
	_ =	sdelay $0x1  }
0x8a: {  	s1 =	srdreg.scid  }
0x8b: {  	s0 =	sand.u32 $0x1, s1  }
0x8c: {  	s17 =	sshll.u32 s0, $0xA;
	s2 =	sadd.s32 s3, s2  }
0x8d: {  	s2 =	sadd.s32 s2, s17  }
0x8e: {  	[smem:$0x3FC6] =	sst s2  }
0x8f: {  	_ = 	snop  }
0x90: {  	s2 =	sld [smem:$0x3FC8];
	(tm) =	ssettm $0x1  }
0x91: {  	s18 =	sld [smem:$0x3FFB];
	_ =	sdelay $0x3  }
0x92: {  	_ =	strace s18  }
0x93: {  	s3 =	sld [smem:$0x3FFC];
	_ =	sdelay $0x3  }
0x94: {  	_ =	strace s3  }
0x95: {  	s3 =	sld [smem:$0x3FFD];
	_ =	sdelay $0x3  }
0x96: {  	_ =	strace s3  }
0x97: {  	_ =	strace $0x8FFFFFFF  }
0x98: {  	s19 =	sld [smem:$0x3FDB];
	_ =	sdelay $0x1  }
0x99: {  	s4 =	simm.s32 $_scs_section_size  }
0x9a: {  	s5 =	simm.s32 $_size__tile_overlayer_lowered;
	s6 =	simm.s32 $_tile_overlayer_lowered  }
0x9b: {  	s22 =	simm.s32 $0x1BFF;
	s21 =	sshll.u32 s6, $0x1;
	s3 =	sadd.s32 s4, s19  }
0x9c: {  	s7 =	simm.s32 $0x0;
	s20 =	sshll.u32 s5, $0x1;
	s5 =	sadd.s32 s21, s3  }
0x9d: {  	[timem:s7], [sflag:s22] =	dma.local [hbm:s5], s20  }
0x9e: {  	_ =	swait.ge [sflag:s22], s20  }
0x9f: {  	s4 =	ssub.s32 $0x0, s20;
	[sflag:s22] =	ssyncset.done $0x0  }
0xa0: {  	[sflag:s22] =	ssyncadd.s32 s4;
	_ =	sdelay $0x1  }
0xa1: {  	s23 =	simm.s32 $0x1B8B  }
0xa2: {  	_ =	swait.ge [sflag:s23], $0x1  }
0xa3: {  	[sflag:s23] =	ssyncset.done $0x0  }
0xa4: {  	s25 =	simm.s32 $0x1B8E;
	s24 =	sld [smem:$0x3FFE];
	[sflag:s23] =	ssyncadd.s32 $0xFFFFFFFF  }
0xa5: {  	s26 =	simm.s32 $execute0_lowered;
	[smem:$0x3FD2] =	sst s25  }
0xa6: {  	s5 =	sshll.u32 s26, $0x1;
	_ =	strace $0x80000046;
	[dreg:$0x1] =	wrdreg $0xFFFFFFFF  }
0xa7: {  	s28 =	simm.s32 $_size_execute0_lowered;
	s3 =	sadd.s32 s3, s5;
	[dreg:$0x0] =	wrdreg $0x0  }
0xa8: {  	s5 =	sshll.u32 s28, $0x1;
	[dreg:$0x2] =	wrdreg s3  }
0xa9: {  	[dreg:$0x3] =	wrdreg s5  }
0xaa: {  	[dreg:$0x4] =	wrdreg $0xC0  }
0xab: {  	_ =	task [dreg:s7], $0x5FFFF  }
0xac: {  	[dreg:$0x1] =	wrdreg $0xFFFFFFFF  }
0xad: {  	[dreg:$0x0] =	wrdreg $0x60  }
0xae: {  	[dreg:$0x2] =	wrdreg s24  }
0xaf: {  	[dreg:$0x3] =	wrdreg s2  }
0xb0: {  	[dreg:$0x4] =	wrdreg $0x9  }
0xb1: {  	_ =	task.clear_ibuf [dreg:s7], $0x5FFFF;
	_ =	strace $0x90000046  }
0xb2: {  	s29 =	simm.s32 $0x9;
	_ =	strace $0x80000048  }
0xb3: {  	_ =	swait.ge [sflag:s29], $0x1  }
0xb4: {  	[sflag:s29] =	ssyncadd.s32 $0xFFFFFFFF  }
0xb5: {  	_ =	strace $0x90000048  }
0xb6: {  	_ =	sfence  }
0xb7: {  	s30 =	sld [smem:$0x0];
	_ =	sdelay $0x2  }
0xb8: {  	s31 =	sshll.u32 s1, $0xD;
	s1 =	sshrl.u32 s1, $0x2  }
0xb9: {  	s3 =	sand.u32 $0x4000, s31;
	s1 =	sadd.s32 s1, s30  }
0xba: {  	s0 =	sor.u32 s3, s0;
	s1 =	sshll.u32 s1, $0x11  }
0xbb: {  	s0 =	sor.u32 s1, s0  }
0xbc: {  	s0 =	sadd.s32 $0x8F2B, s0  }
0xbd: {  	[sflag:s0] =	ssyncadd.remote.s32 $0x1  }
0xbe: {  	_ =	sfence.sel $0xFFFF  }
0xbf: {  	[dreg:$0x0] =	wrdreg $0xFFFFFFFF;
	(pc) =	sbr.abs _section_cstart, $3  }
0xc0: {  	[dreg:$0x1] =	wrdreg $0xFFFFFFFF  }
0xc1: {  	_ =	task.clear_ibuf [dreg:s7], $0x2FFFF;
	_ =	strace $0x9FFFFFFF  }
0xc2: {  	(tm) =	ssettm $0x7FFFFFFF  }
0xc3: {  	_ =	shalt  }
tec
execute0_lowered:
.L_overlay_start_1:
0x0: {  	(tag) =	ssettag $0x1  }
0x1: {  	s5 =	rddreg [dreg:$0x0]  }
0x2: {  	s1 =	rddreg [dreg:$0x1]  }
0x3: {  	s0 =	rddreg [dreg:$0x2]  }
0x4: {  	s2 =	simm.s32 $0x0;
	s3 =	srdreg.scid;
	s9 =	simm.s32 $0x1  }
0x5: {  	s10 =	simm.s32 $0x0;
	[smem:$0x7FF] =	sst s2;
	s6 =	sand.u32 $0x1, s3  }
0x6: {  	s4 =	sadd.s32 $0x1400, s5;
	s3 =	stileid.u32;
	s7 =	ssub.s32 $0x2, s6  }
0x7: {  	s5 =	sadd.s32 $0x81400, s5;
	_ =	strace $0x80000047;
	s8 =	sshrl.u32 s7, $0x1  }
0x8: {  	s6 =	sshll.u32 s6, $0x12;
	s31 =	sshll.u32 s3, $0xE;
	s7 =	ssub.s32 s7, s8  }
0x9: {  	s6 =	sor.u32 s31, s6;
	s8 =	simm.s32 $0x8000;
	s7 =	smax.u32 s7, $0x1  }
.LBB2_1:
0xa: {  	s11 =	simm.s32 $0x0  }
.LBB2_2:
0xb: {  	s12 =	sshll.u32 s11, $0xC  }
0xc: {  	s12 =	sadd.s32 s6, s12  }
0xd: {  	s13 =	simm.s32 $0x0;
	s14 =	sadd.s32 s1, s12  }
0xe: {  	[tilespmem:s8], [sflag:$0x1] =	stream.linear.gather [hbm4b:s14+s13], $0x8000, $0x38;
	[tilespmem:$0x10000] =	vst v63  }
0xf: {  	_ =	swait.ge [sflag:s9], $0x8000  }
0x10: {  	[sflag:s9] =	ssyncset.done $0x0  }
0x11: {  	s31 =	sadd.s32 s4, s12;
	[sflag:s9] =	ssyncadd.s32 $0xFFFF8000  }
0x12: {  	[tilespmem:s13], [sflag:$0x1] =	stream.linear.gather [hbm4b:s31+s13], $0x8000, $0x38;
	[tilespmem:$0x10000] =	vst v63  }
0x13: {  	_ =	swait.ge [sflag:s9], $0x8000  }
0x14: {  	s15 =	simm.s32 $0x0;
	[sflag:s9] =	ssyncset.done $0x0  }
0x15: {  	s16 =	simm.s32 $0x0;
	s14 =	simm.s32 $0xFFFF8000;
	[sflag:s9] =	ssyncadd.s32 $0xFFFF8000  }
.LBB2_3:
0x16: {  	s17 =	sadd.s32 $0x8000, s14  }
0x17: {  	s18 =	sand.u32 $0x380, s16;
	s17 =	sand.u32 $0x6000, s17  }
0x18: {  	s17 =	sor.u32 s18, s17  }
0x19: {  	v0 =	vld [tilespmem:s17+$0x0]  }
0x1a: {  	v1 =	vld [tilespmem:s17+$0x8000]  }
0x1b: {  	v2 =	vld [tilespmem:s17+$0x10]  }
0x1c: {  	v3 =	vld [tilespmem:s17+$0x8010]  }
0x1d: {  	v4 =	vld [tilespmem:s17+$0x20]  }
0x1e: {  	v5 =	vld [tilespmem:s17+$0x8020]  }
0x1f: {  	v6 =	vld [tilespmem:s17+$0x30]  }
0x20: {  	v7 =	vld [tilespmem:s17+$0x8030]  }
0x21: {  	v8 =	vld [tilespmem:s17+$0x40]  }
0x22: {  	v9 =	vld [tilespmem:s17+$0x8040]  }
0x23: {  	v10 =	vld [tilespmem:s17+$0x50]  }
0x24: {  	v11 =	vld [tilespmem:s17+$0x8050]  }
0x25: {  	v12 =	vld [tilespmem:s17+$0x60]  }
0x26: {  	v13 =	vld [tilespmem:s17+$0x8060]  }
0x27: {  	v14 =	vld [tilespmem:s17+$0x70]  }
0x28: {  	v15 =	vld [tilespmem:s17+$0x8070]  }
0x29: {  	v16 =	vld [tilespmem:s17+$0x400]  }
0x2a: {  	v17 =	vld [tilespmem:s17+$0x8400]  }
0x2b: {  	v18 =	vld [tilespmem:s17+$0x410]  }
0x2c: {  	v19 =	vld [tilespmem:s17+$0x8410]  }
0x2d: {  	v20 =	vld [tilespmem:s17+$0x420]  }
0x2e: {  	v21 =	vld [tilespmem:s17+$0x8420]  }
0x2f: {  	v22 =	vld [tilespmem:s17+$0x430]  }
0x30: {  	v23 =	vld [tilespmem:s17+$0x8430]  }
0x31: {  	v24 =	vld [tilespmem:s17+$0x440]  }
0x32: {  	v25 =	vld [tilespmem:s17+$0x8440]  }
0x33: {  	v26 =	vld [tilespmem:s17+$0x450]  }
0x34: {  	v27 =	vld [tilespmem:s17+$0x8450]  }
0x35: {  	v28 =	vld [tilespmem:s17+$0x460]  }
0x36: {  	v29 =	vld [tilespmem:s17+$0x8460]  }
0x37: {  	v30 =	vld [tilespmem:s17+$0x470]  }
0x38: {  	v31 =	vld [tilespmem:s17+$0x8470]  }
0x39: {  	v32 =	vld [tilespmem:s17+$0x800]  }
0x3a: {  	v33 =	vld [tilespmem:s17+$0x8800]  }
0x3b: {  	v34 =	vld [tilespmem:s17+$0x810]  }
0x3c: {  	v35 =	vld [tilespmem:s17+$0x8810]  }
0x3d: {  	v36 =	vld [tilespmem:s17+$0x820]  }
0x3e: {  	v37 =	vld [tilespmem:s17+$0x8820]  }
0x3f: {  	v38 =	vld [tilespmem:s17+$0x830]  }
0x40: {  	v39 =	vld [tilespmem:s17+$0x8830]  }
0x41: {  	v40 =	vld [tilespmem:s17+$0x840]  }
0x42: {  	v41 =	vld [tilespmem:s17+$0x8840]  }
0x43: {  	v42 =	vld [tilespmem:s17+$0x850]  }
0x44: {  	v43 =	vld [tilespmem:s17+$0x8850]  }
0x45: {  	v44 =	vld [tilespmem:s17+$0x860]  }
0x46: {  	v45 =	vld [tilespmem:s17+$0x8860]  }
0x47: {  	v46 =	vld [tilespmem:s17+$0x870]  }
0x48: {  	v47 =	vld [tilespmem:s17+$0x8870]  }
0x49: {  	v48 =	vld [tilespmem:s17+$0xC00]  }
0x4a: {  	v49 =	vld [tilespmem:s17+$0x8C00]  }
0x4b: {  	v50 =	vld [tilespmem:s17+$0xC10]  }
0x4c: {  	v51 =	vld [tilespmem:s17+$0x8C10]  }
0x4d: {  	v52 =	vld [tilespmem:s17+$0xC20]  }
0x4e: {  	v53 =	vld [tilespmem:s17+$0x8C20]  }
0x4f: {  	v54 =	vld [tilespmem:s17+$0xC30]  }
0x50: {  	v55 =	vld [tilespmem:s17+$0x8C30]  }
0x51: {  	v56 =	vld [tilespmem:s17+$0xC40]  }
0x52: {  	v57 =	vld [tilespmem:s17+$0x8C40]  }
0x53: {  	v58 =	vld [tilespmem:s17+$0xC50]  }
0x54: {  	v59 =	vld [tilespmem:s17+$0x8C50]  }
0x55: {  	v60 =	vld [tilespmem:s17+$0xC60]  }
0x56: {  	v0 =	vadd.f32 v1, v0;
	v1 =	vld [tilespmem:s17+$0x8C60]  }
0x57: {  	v2 =	vadd.f32 v3, v2;
	v3 =	vld [tilespmem:s17+$0xC70]  }
0x58: {  	v63 =	vadd.f32 v5, v4;
	v4 =	vld [tilespmem:s17+$0x8C70];
	[tilespmem:s17+$0x0] =	vst v0  }
0x59: {  	v61 =	vadd.f32 v7, v6;
	v5 =	vld [tilespmem:s17+$0x1000];
	[tilespmem:s17+$0x10] =	vst v2  }
0x5a: {  	v62 =	vadd.f32 v9, v8;
	v6 =	vld [tilespmem:s17+$0x9000];
	[tilespmem:s17+$0x20] =	vst v63  }
0x5b: {  	v7 =	vld [tilespmem:s17+$0x1010];
	v13 =	vadd.f32 v13, v12;
	[tilespmem:s17+$0x30] =	vst v61  }
0x5c: {  	v8 =	vld [tilespmem:s17+$0x9010];
	v15 =	vadd.f32 v15, v14;
	[tilespmem:s17+$0x40] =	vst v62  }
0x5d: {  	v9 =	vld [tilespmem:s17+$0x1020];
	v17 =	vadd.f32 v17, v16;
	[tilespmem:s17+$0x60] =	vst v13  }
0x5e: {  	v19 =	vadd.f32 v19, v18;
	v12 =	vld [tilespmem:s17+$0x9030];
	[tilespmem:s17+$0x70] =	vst v15  }
0x5f: {  	v21 =	vadd.f32 v21, v20;
	v14 =	vld [tilespmem:s17+$0x9040];
	[tilespmem:s17+$0x400] =	vst v17  }
0x60: {  	v23 =	vadd.f32 v23, v22;
	v16 =	vld [tilespmem:s17+$0x9050];
	[tilespmem:s17+$0x410] =	vst v19  }
0x61: {  	v25 =	vadd.f32 v25, v24;
	v20 =	vld [tilespmem:s17+$0x9070];
	[tilespmem:s17+$0x420] =	vst v21  }
0x62: {  	v27 =	vadd.f32 v27, v26;
	v22 =	vld [tilespmem:s17+$0x9400];
	[tilespmem:s17+$0x430] =	vst v23  }
0x63: {  	v29 =	vadd.f32 v29, v28;
	v24 =	vld [tilespmem:s17+$0x9410];
	[tilespmem:s17+$0x440] =	vst v25  }
0x64: {  	v28 =	vadd.f32 v37, v36;
	v37 =	vld [tilespmem:s17+$0x1430];
	[tilespmem:s17+$0x450] =	vst v27  }
0x65: {  	v36 =	vadd.f32 v51, v50;
	v51 =	vld [tilespmem:s17+$0x9460];
	[tilespmem:s17+$0x460] =	vst v29  }
0x66: {  	v63 =	vadd.f32 v11, v10;
	v10 =	vld [tilespmem:s17+$0x9020];
	[tilespmem:s17+$0x820] =	vst v28  }
0x67: {  	v11 =	vld [tilespmem:s17+$0x1030];
	v61 =	vadd.f32 v31, v30;
	[tilespmem:s17+$0xC10] =	vst v36  }
0x68: {  	v13 =	vld [tilespmem:s17+$0x1040];
	v62 =	vadd.f32 v33, v32;
	[tilespmem:s17+$0x50] =	vst v63  }
0x69: {  	v15 =	vld [tilespmem:s17+$0x1050];
	v27 =	vadd.f32 v35, v34;
	[tilespmem:s17+$0x470] =	vst v61  }
0x6a: {  	v17 =	vld [tilespmem:s17+$0x1060];
	v29 =	vadd.f32 v39, v38;
	[tilespmem:s17+$0x800] =	vst v62  }
0x6b: {  	v19 =	vld [tilespmem:s17+$0x1070];
	v30 =	vadd.f32 v41, v40;
	[tilespmem:s17+$0x810] =	vst v27  }
0x6c: {  	v21 =	vld [tilespmem:s17+$0x1400];
	v31 =	vadd.f32 v43, v42;
	[tilespmem:s17+$0x830] =	vst v29  }
0x6d: {  	v23 =	vld [tilespmem:s17+$0x1410];
	v32 =	vadd.f32 v45, v44;
	[tilespmem:s17+$0x840] =	vst v30  }
0x6e: {  	v33 =	vadd.f32 v47, v46;
	v25 =	vld [tilespmem:s17+$0x1420];
	[tilespmem:s17+$0x850] =	vst v31  }
0x6f: {  	v34 =	vadd.f32 v49, v48;
	v35 =	vld [tilespmem:s17+$0x9420];
	[tilespmem:s17+$0x860] =	vst v32  }
0x70: {  	v38 =	vadd.f32 v53, v52;
	v39 =	vld [tilespmem:s17+$0x9430];
	[tilespmem:s17+$0x870] =	vst v33  }
0x71: {  	v40 =	vadd.f32 v55, v54;
	v41 =	vld [tilespmem:s17+$0x1440];
	[tilespmem:s17+$0xC00] =	vst v34  }
0x72: {  	v42 =	vadd.f32 v57, v56;
	v43 =	vld [tilespmem:s17+$0x9440];
	[tilespmem:s17+$0xC20] =	vst v38  }
0x73: {  	v44 =	vadd.f32 v59, v58;
	v45 =	vld [tilespmem:s17+$0x1450];
	[tilespmem:s17+$0xC30] =	vst v40  }
0x74: {  	v47 =	vld [tilespmem:s17+$0x9450];
	[tilespmem:s17+$0xC40] =	vst v42;
	v46 =	vadd.f32 v1, v60  }
0x75: {  	v49 =	vld [tilespmem:s17+$0x1460];
	[tilespmem:s17+$0xC50] =	vst v44;
	v48 =	vadd.f32 v4, v3  }
0x76: {  	v53 =	vld [tilespmem:s17+$0x1470];
	v50 =	vadd.f32 v6, v5;
	[tilespmem:s17+$0xC60] =	vst v46  }
0x77: {  	v55 =	vld [tilespmem:s17+$0x9470];
	v52 =	vadd.f32 v8, v7;
	[tilespmem:s17+$0xC70] =	vst v48  }
0x78: {  	v57 =	vld [tilespmem:s17+$0x1800];
	[tilespmem:s17+$0x1000] =	vst v50;
	v54 =	vadd.f32 v10, v9  }
0x79: {  	v59 =	vld [tilespmem:s17+$0x9800];
	[tilespmem:s17+$0x1010] =	vst v52;
	v56 =	vadd.f32 v12, v11  }
0x7a: {  	v36 =	vld [tilespmem:s17+$0x9830];
	v58 =	vadd.f32 v14, v13;
	[tilespmem:s17+$0x1020] =	vst v54  }
0x7b: {  	v63 =	vld [tilespmem:s17+$0x9060];
	v60 =	vadd.f32 v16, v15;
	[tilespmem:s17+$0x1030] =	vst v56  }
0x7c: {  	v61 =	vld [tilespmem:s17+$0x1810];
	v19 =	vadd.f32 v20, v19;
	[tilespmem:s17+$0x1040] =	vst v58  }
0x7d: {  	v32 =	vld [tilespmem:s17+$0x9820];
	v22 =	vadd.f32 v22, v21;
	[tilespmem:s17+$0x1050] =	vst v60  }
0x7e: {  	v34 =	vld [tilespmem:s17+$0x1830];
	v33 =	vadd.f32 v24, v23;
	[tilespmem:s17+$0x1070] =	vst v19  }
0x7f: {  	v38 =	vld [tilespmem:s17+$0x1840];
	v35 =	vadd.f32 v35, v25;
	[tilespmem:s17+$0x1400] =	vst v22  }
0x80: {  	v40 =	vld [tilespmem:s17+$0x1850];
	v37 =	vadd.f32 v39, v37;
	[tilespmem:s17+$0x1410] =	vst v33  }
0x81: {  	v20 =	vld [tilespmem:s17+$0x1820];
	v39 =	vadd.f32 v43, v41;
	[tilespmem:s17+$0x1420] =	vst v35  }
0x82: {  	v1 =	vadd.f32 v47, v45;
	v41 =	vld [tilespmem:s17+$0x9850];
	[tilespmem:s17+$0x1430] =	vst v37  }
0x83: {  	v42 =	vadd.f32 v51, v49;
	v43 =	vld [tilespmem:s17+$0x1860];
	[tilespmem:s17+$0x1440] =	vst v39  }
0x84: {  	v44 =	vadd.f32 v55, v53;
	v45 =	vld [tilespmem:s17+$0x9860];
	[tilespmem:s17+$0x1450] =	vst v1  }
0x85: {  	v46 =	vadd.f32 v59, v57;
	v47 =	vld [tilespmem:s17+$0x1870];
	[tilespmem:s17+$0x1460] =	vst v42  }
0x86: {  	v49 =	vld [tilespmem:s17+$0x9870];
	v62 =	vadd.f32 v63, v17;
	[tilespmem:s17+$0x1470] =	vst v44  }
0x87: {  	v63 =	vld [tilespmem:s17+$0x9810];
	[tilespmem:s17+$0x1800] =	vst v46;
	v52 =	vadd.f32 v36, v34  }
0x88: {  	v51 =	vld [tilespmem:s17+$0x9840];
	[tilespmem:s17+$0x1060] =	vst v62;
	v50 =	vadd.f32 v32, v20  }
0x89: {  	[tilespmem:s17+$0x1830] =	vst v52;
	v53 =	vadd.f32 v41, v40  }
0x8a: {  	v54 =	vadd.f32 v45, v43;
	[tilespmem:s17+$0x1820] =	vst v50  }
0x8b: {  	s23 =	sand.u32 $0x7, s13;
	v55 =	vadd.f32 v49, v47;
	[tilespmem:s17+$0x1850] =	vst v53  }
0x8c: {  	s18 =	sshll.u32 s23, $0x7;
	v48 =	vadd.f32 v63, v61;
	[tilespmem:s17+$0x1860] =	vst v54  }
0x8d: {  	s18 =	sadd.s32 s18, s15;
	v56 =	vadd.f32 v51, v38;
	[tilespmem:s17+$0x1870] =	vst v55  }
0x8e: {  	s19 =	sor.u32 $0x1C00, s18;
	[tilespmem:s17+$0x1810] =	vst v48  }
0x8f: {  	[tilespmem:s17+$0x1840] =	vst v56;
	v0 =	vld [tilespmem:s19+$0x0]  }
0x90: {  	v1 =	vld [tilespmem:s19+$0x8000];
	_ =	sdelay $0x4  }
0x91: {  	v0 =	vadd.f32 v1, v0;
	_ =	sdelay $0x1  }
0x92: {  	s24 =	sor.u32 $0x1C10, s18;
	[tilespmem:s19+$0x0] =	vst v0  }
0x93: {  	v0 =	vld [tilespmem:s24+$0x0]  }
0x94: {  	v57 =	vld [tilespmem:s24+$0x8000];
	_ =	sdelay $0x4  }
0x95: {  	v0 =	vadd.f32 v57, v0;
	_ =	sdelay $0x1  }
0x96: {  	s25 =	sor.u32 $0x1C20, s18;
	[tilespmem:s24+$0x0] =	vst v0  }
0x97: {  	v0 =	vld [tilespmem:s25+$0x0]  }
0x98: {  	v58 =	vld [tilespmem:s25+$0x8000];
	_ =	sdelay $0x4  }
0x99: {  	v0 =	vadd.f32 v58, v0;
	_ =	sdelay $0x1  }
0x9a: {  	s26 =	sor.u32 $0x1C30, s18;
	[tilespmem:s25+$0x0] =	vst v0  }
0x9b: {  	v0 =	vld [tilespmem:s26+$0x0]  }
0x9c: {  	v59 =	vld [tilespmem:s26+$0x8000];
	_ =	sdelay $0x4  }
0x9d: {  	v0 =	vadd.f32 v59, v0;
	_ =	sdelay $0x1  }
0x9e: {  	s28 =	sor.u32 $0x1C40, s18;
	[tilespmem:s26+$0x0] =	vst v0  }
0x9f: {  	v0 =	vld [tilespmem:s28+$0x0]  }
0xa0: {  	v60 =	vld [tilespmem:s28+$0x8000];
	_ =	sdelay $0x4  }
0xa1: {  	v0 =	vadd.f32 v60, v0;
	_ =	sdelay $0x1  }
0xa2: {  	s29 =	sor.u32 $0x1C50, s18;
	[tilespmem:s28+$0x0] =	vst v0  }
0xa3: {  	v0 =	vld [tilespmem:s29+$0x0]  }
0xa4: {  	v61 =	vld [tilespmem:s29+$0x8000];
	_ =	sdelay $0x4  }
0xa5: {  	v0 =	vadd.f32 v61, v0;
	_ =	sdelay $0x1  }
0xa6: {  	s30 =	sor.u32 $0x1C60, s18;
	[tilespmem:s29+$0x0] =	vst v0  }
0xa7: {  	v0 =	vld [tilespmem:s30+$0x0]  }
0xa8: {  	v62 =	vld [tilespmem:s30+$0x8000];
	_ =	sdelay $0x4  }
0xa9: {  	v0 =	vadd.f32 v62, v0;
	_ =	sdelay $0x1  }
0xaa: {  	s31 =	sor.u32 $0x1C70, s18;
	[tilespmem:s30+$0x0] =	vst v0  }
0xab: {  	v0 =	vld [tilespmem:s31+$0x0]  }
0xac: {  	v63 =	vld [tilespmem:s31+$0x8000];
	_ =	sdelay $0x1  }
0xad: {  	p0 =	sne.s32 s16, $0xF80  }
.Ltmp0:
0xae: {  	_ = 	snop;
	(pc) =	sbr.rel @p0 .LBB2_3-.Ltmp0, $4  }
0xaf: {  	_ = 	snop  }
0xb0: {  	v0 =	vadd.f32 v63, v0  }
0xb1: {  	s13 =	sadd.s32 $0x1, s13  }
0xb2: {  	s14 =	sadd.s32 $0x400, s14;
	s16 =	sadd.s32 $0x80, s16;
	s15 =	sadd.s32 $0x400, s15;
	[tilespmem:s31+$0x0] =	vst v0  }
0xb3: {  	s11 =	sadd.s32 $0x1, s11  }
0xb4: {  	p0 =	sne.s32 s11, $0x4  }
.Ltmp1:
0xb5: {  	s12 =	sadd.s32 s5, s12;
	(pc) =	sbr.rel @p0 .LBB2_2-.Ltmp1, $4  }
0xb6: {  	[hbm4b:s12+s2] =	stream.linear.scatter [tilespmem:s2], [sflag:$0x1], $0x8000, $0x38;
	[tilespmem:$0x10000] =	vst v63  }
0xb7: {  	_ =	swait.ge [sflag:s9], $0x8000  }
0xb8: {  	[sflag:s9] =	ssyncset.done $0x0  }
0xb9: {  	[sflag:s9] =	ssyncadd.s32 $0xFFFF8000  }
0xba: {  	s10 =	sadd.s32 $0x1, s10  }
0xbb: {  	p0 =	sne.s32 s10, s7  }
.Ltmp2:
0xbc: {  	_ = 	snop;
	(pc) =	sbr.rel @p0 .LBB2_1-.Ltmp2, $1  }
0xbd: {  	_ =	sdelay $0x3  }
0xbe: {  	_ =	sfence.sel $0x180000  }
0xbf: {  	[bflag:$0x0] =	sbarrier.arrive $0xFFFF  }
0xc0: {  	p0 =	sne.s32 s3, $0x0;
	_ =	strace $0x90000047  }
0xc1: {  	s0 =	sadd.s32 @!p0 $0x100000, s0;
	[bflag:$0x2] =	sbarrier.arrive $0xFFFF  }
0xc2: {  	[sflag:s0] =	ssyncadd.tile.s32 @!p0 $0x1;
	_ =	shalt  }
.Lfunc_end2:
_tile_overlayer_lowered:
.L_overlay_start_2:
0xc3: {  	(tag) =	ssettag $0x2  }
0xc4: {  	s0 =	rddreg [dreg:$0x0];
	s2 =	stileid.u32  }
0xc5: {  	s1 =	rddreg [dreg:$0x1];
	p0 =	sne.s32 s2, $0x0  }
0xc6: {  	s3 =	rddreg [dreg:$0x2];
	[bflag:$0x3] =	sbarrier.arrive $0xFFFF;
	s2 =	simm.s32 @!p0 $0x1C01  }
0xc7: {  	[timem:s3], [sflag:s2] =	dma.local @!p0 [hbm:s0], s1  }
0xc8: {  	s0 =	simm.s32 @!p0 $0x1  }
0xc9: {  	_ =	swait.ge @!p0 [sflag:s0], s1  }
0xca: {  	s1 =	ssub.s32 @!p0 $0x0, s1;
	[sflag:s0] =	ssyncset.done @!p0 $0x0  }
0xcb: {  	[sflag:s0] =	ssyncadd.s32 @!p0 s1  }
0xcc: {  	[bflag:$0x3] =	sbarrier.arrive $0xFFFF  }
0xcd: {  	_ =	shalt  }

</sc_bundles>
